<compile_context>
chip_gen: v7x
topology: tpu7x:2x2x1
jax: 0.10.2.dev20260603
libtpu: 0.0.44.dev20260713+nightly
codegen_flags: <defaults>
</compile_context>

<pallas_src>
import functools

import jax
import jax.numpy as jnp
from jax import lax
from jax.experimental import pallas as pl
from jax.experimental.pallas import tpu as pltpu
from jax.experimental.pallas import tpu_sc as plsc

_LAMBDA_S = 0.01
_K = 8
_N = 8192
_BR = 1024

_NC = 2
_NS = 16
_NW = _NC * _NS
_L = 16
_EPW = _N * _K // _NW


_NCHUNK = _N // 128


def _topk_body(x_ref, xt_ref, idx_ref, d2_ref):
    rp = x_ref[...]
    cp2 = xt_ref[...]
    dotn = lax.dot_general(rp, cp2, (((1,), (0,)), ((), ())),
                           preferred_element_type=jnp.float32)
    rsq = jnp.sum(rp * rp, axis=1, keepdims=True)
    csq = jnp.sum(cp2 * cp2, axis=0, keepdims=True) * 0.25
    d2 = jnp.maximum(rsq + csq + dotn, 0.0)
    kq = lax.bitcast_convert_type(d2, jnp.int32) & ~jnp.int32(8191)
    colb = lax.broadcasted_iota(jnp.int32, (1, _N), 1) + jnp.int32(1 << 23)
    inf = jnp.full((_BR, 128), jnp.inf, jnp.float32)
    f = inf
    g = inf
    h = inf
    for c in range(0, _NCHUNK, 4):
        vs = [lax.bitcast_convert_type(
                  kq[:, i * 128:(i + 1) * 128]
                  + colb[:, i * 128:(i + 1) * 128], jnp.float32)
              for i in range(c, c + 4)]
        v = jnp.minimum(jnp.minimum(vs[0], vs[1]),
                        jnp.minimum(vs[2], vs[3]))
        f2 = jnp.minimum(f, v)
        w = jnp.maximum(f, v)
        g2 = jnp.minimum(g, w)
        w2 = jnp.maximum(g, w)
        h = jnp.minimum(h, w2)
        f = f2
        g = g2
    idx_cols = []
    d2_cols = []
    for k in range(_K + 1):
        m = jnp.min(f, axis=1, keepdims=True)
        if k > 0:
            mi = lax.bitcast_convert_type(m, jnp.int32) - jnp.int32(1 << 23)
            idx_cols.append(mi & jnp.int32(8191))
            d2_cols.append(lax.bitcast_convert_type(
                (mi & ~jnp.int32(8191)) | jnp.int32(4096), jnp.float32))
        if k < _K:
            pick = f == m
            f = jnp.where(pick, g, f)
            g = jnp.where(pick, h, g)
            h = jnp.where(pick, jnp.float32(jnp.inf), h)
    idx_ref[...] = jnp.concatenate(idx_cols, axis=1)
    d2_ref[...] = jnp.concatenate(d2_cols, axis=1)


def _tc_topk(xpad, xpad_t):
    return pl.pallas_call(
        _topk_body,
        grid=(_N // _BR,),
        in_specs=[
            pl.BlockSpec((_BR, 8), lambda i: (i, 0)),
            pl.BlockSpec((8, _N), lambda i: (0, 0)),
        ],
        out_specs=[
            pl.BlockSpec((_BR, _K), lambda i: (i, 0)),
            pl.BlockSpec((_BR, _K), lambda i: (i, 0)),
        ],
        out_shape=[
            jax.ShapeDtypeStruct((_N, _K), jnp.int32),
            jax.ShapeDtypeStruct((_N, _K), jnp.float32),
        ],
        compiler_params=pltpu.CompilerParams(
            dimension_semantics=("parallel",)),
    )(xpad, xpad_t)


def _sc_body(w_hbm, s0_hbm, s1_hbm, s2_hbm, idx_hbm, d2_hbm, out_hbm,
             w_v, s0_v, s1_v, s2_v, idx_v, d2_v, acc_v):
    wid = lax.axis_index("s") * _NC + lax.axis_index("c")
    base = wid * _EPW
    pltpu.sync_copy(w_hbm, w_v)
    pltpu.sync_copy(s0_hbm, s0_v)
    pltpu.sync_copy(s1_hbm, s1_v)
    pltpu.sync_copy(s2_hbm, s2_v)
    pltpu.sync_copy(idx_hbm.at[pl.ds(base, _EPW)], idx_v)
    pltpu.sync_copy(d2_hbm.at[pl.ds(base, _EPW)], d2_v)

    lanes = lax.iota(jnp.int32, _L)

    def step(t, acc):
        off = t * _L
        jv = idx_v[pl.ds(off, _L)]
        civ = lax.shift_right_logical(base + off + lanes, 3)
        wj = plsc.load_gather(w_v, [jv])
        wi = plsc.load_gather(w_v, [civ])
        a0j = plsc.load_gather(s0_v, [jv])
        a0i = plsc.load_gather(s0_v, [civ])
        a1j = plsc.load_gather(s1_v, [jv])
        a1i = plsc.load_gather(s1_v, [civ])
        a2j = plsc.load_gather(s2_v, [jv])
        a2i = plsc.load_gather(s2_v, [civ])
        d2v = d2_v[pl.ds(off, _L)]
        denom = jnp.maximum(d2v, 1e-12)
        dw = wi - wj
        d0 = a0i - a0j
        d1 = a1i - a1j
        d2_ = a2i - a2j
        num = dw * dw + d0 * d0 + d1 * d1 + d2_ * d2_
        return acc + num / denom

    acc = lax.fori_loop(0, _EPW // _L, step, jnp.zeros((_L,), jnp.float32))
    acc_v[...] = acc
    pltpu.sync_copy(acc_v, out_hbm.at[wid])


def _sc_reduce(w, s0, s1, s2, idx_flat, d2_flat):
    mesh = plsc.VectorSubcoreMesh(core_axis_name="c", subcore_axis_name="s")
    fn = functools.partial(
        pl.kernel,
        mesh=mesh,
        compiler_params=pltpu.CompilerParams(needs_layout_passes=False),
        out_type=jax.ShapeDtypeStruct((_NW, _L), jnp.float32),
        scratch_types=[
            pltpu.VMEM((_N,), jnp.float32),
            pltpu.VMEM((_N,), jnp.float32),
            pltpu.VMEM((_N,), jnp.float32),
            pltpu.VMEM((_N,), jnp.float32),
            pltpu.VMEM((_EPW,), jnp.int32),
            pltpu.VMEM((_EPW,), jnp.float32),
            pltpu.VMEM((_L,), jnp.float32),
        ],
    )(_sc_body)
    return fn(w, s0, s1, s2, idx_flat, d2_flat)


def kernel(positions, weights, log_scales):
    xpad = jnp.zeros((_N, 8), jnp.float32).at[:, :3].set(positions)
    nbr_idx, nbr_d2 = _tc_topk(xpad, -2.0 * xpad.T)
    partials = _sc_reduce(
        weights,
        log_scales[:, 0],
        log_scales[:, 1],
        log_scales[:, 2],
        nbr_idx.reshape(-1),
        nbr_d2.reshape(-1),
    )
    num_edges = _N * _K
    return _LAMBDA_S * jnp.sum(partials) / num_edges

# --- scband reference (transcript-rebuilt; emitter-appended) ---
"""Pipeline reference for scband-smoothness-regularization-54219667145401 (READ-ONLY COPY).

The authoritative reference and input builder live on the scoring server;
editing this copy changes nothing except your own understanding.
"""

import jax, jax.numpy as jnp
import numpy as np

LAMBDA_S = 0.01
NUM_NEIGHBORS = 8

def setup_inputs(seed: int = 0) -> dict:
    key = jax.random.key(seed)
    k1, k2, k3 = jax.random.split(key, 3)
    N = 8192
    positions = jax.random.normal(k1, (N, 3), dtype=jnp.float32)
    weights = jax.random.normal(k2, (N,), dtype=jnp.float32)
    log_scales = jax.random.normal(k3, (N, 3), dtype=jnp.float32)
    return {"positions": positions, "weights": weights, "log_scales": log_scales}

def reference(positions, weights, log_scales):
    N = positions.shape[0]
    # pairwise Euclidean distances (torch.cdist equivalent)
    sq = jnp.sum(positions * positions, axis=1)
    d2 = sq[:, None] + sq[None, :] - 2.0 * (positions @ positions.T)
    distances = jnp.sqrt(jnp.clip(d2, 0.0, None))
    k = min(NUM_NEIGHBORS, N - 1)
    # smallest k+1 distances (includes self at distance 0)
    _, indices = jax.lax.top_k(-distances, k + 1)
    neighbor_indices = indices[:, 1:]
    neighbor_distances = jnp.take_along_axis(distances, neighbor_indices, axis=1)
    neighbor_distances = jnp.clip(neighbor_distances, 1e-06, None)
    weight_neighbors = weights[neighbor_indices]
    weight_diff = weights[:, None] - weight_neighbors
    weight_grad_sq = (weight_diff / neighbor_distances) ** 2
    weight_smoothness = jnp.sum(weight_grad_sq)
    scale_neighbors = log_scales[neighbor_indices]
    scale_diff = log_scales[:, None, :] - scale_neighbors
    scale_grad_sq = (scale_diff / neighbor_distances[:, :, None]) ** 2
    scale_smoothness = jnp.sum(scale_grad_sq)
    num_edges = N * k
    return LAMBDA_S * (weight_smoothness + scale_smoothness) / num_edges

if __name__ == "__main__":
    import jax
    _d = setup_inputs()
    print(jax.jit(kernel)(*tuple(_d.values())))

</pallas_src>

<mosaic_0001>
#map = affine_map<(d0, d1) -> (0)>
#map1 = affine_map<(d0, d1) -> (0, 0)>
module attributes {stable_mosaic.version = 14 : i64} {
  func.func @_sc_body(%arg0: i32, %arg1: i32, %arg2: memref<8192xf32, #tpu.memory_space<hbm>>, %arg3: memref<8192xf32, #tpu.memory_space<hbm>>, %arg4: memref<8192xf32, #tpu.memory_space<hbm>>, %arg5: memref<8192xf32, #tpu.memory_space<hbm>>, %arg6: memref<65536xi32, #tpu.memory_space<hbm>>, %arg7: memref<65536xf32, #tpu.memory_space<hbm>>, %arg8: memref<32x16xf32, #tpu.memory_space<hbm>>, %arg9: memref<8192xf32, #tpu.memory_space<vmem>>, %arg10: memref<8192xf32, #tpu.memory_space<vmem>>, %arg11: memref<8192xf32, #tpu.memory_space<vmem>>, %arg12: memref<8192xf32, #tpu.memory_space<vmem>>, %arg13: memref<2048xi32, #tpu.memory_space<vmem>>, %arg14: memref<2048xf32, #tpu.memory_space<vmem>>, %arg15: memref<16xf32, #tpu.memory_space<vmem>>) attributes {dimension_semantics = [#tpu.dimension_semantics<core_parallel>, #tpu.dimension_semantics<subcore_parallel>], iteration_bounds = array<i64: 2, 16>, scalar_prefetch = 0 : i64, scratch_operands = 7 : i64, tpu.core_type = #tpu.core_type<sc_vector_subcore>, window_params = [{transform_indices = #map}, {transform_indices = #map}, {transform_indices = #map}, {transform_indices = #map}, {transform_indices = #map}, {transform_indices = #map}, {transform_indices = #map1}]} {
    %mul3A = arith.constant 2 : i32
    %mul3A_0 = arith.muli %arg1, %mul3A : i32
    %add3A = arith.addi %mul3A_0, %arg0 : i32
    %mul3A_1 = arith.constant 2048 : i32
    %mul3A_2 = arith.muli %add3A, %mul3A_1 : i32
    "tpu.region"() ({
      %run_scoped3A = tpu.sem_alloc : memref<!tpu.dma_semaphore, #tpu.memory_space<semaphore_mem>>
      tpu.enqueue_dma source(%arg2 : memref<8192xf32, #tpu.memory_space<hbm>>) target(%arg9 : memref<8192xf32, #tpu.memory_space<vmem>>) target_semaphore(%run_scoped3A : memref<!tpu.dma_semaphore, #tpu.memory_space<semaphore_mem>>)
      tpu.wait_dma2 semaphore(%run_scoped3A : memref<!tpu.dma_semaphore, #tpu.memory_space<semaphore_mem>>) src(%arg2 : memref<8192xf32, #tpu.memory_space<hbm>>) dst(%arg9 : memref<8192xf32, #tpu.memory_space<vmem>>)
      tpu.yield
    }) : () -> ()
    "tpu.region"() ({
      %run_scoped3A = tpu.sem_alloc : memref<!tpu.dma_semaphore, #tpu.memory_space<semaphore_mem>>
      tpu.enqueue_dma source(%arg3 : memref<8192xf32, #tpu.memory_space<hbm>>) target(%arg10 : memref<8192xf32, #tpu.memory_space<vmem>>) target_semaphore(%run_scoped3A : memref<!tpu.dma_semaphore, #tpu.memory_space<semaphore_mem>>)
      tpu.wait_dma2 semaphore(%run_scoped3A : memref<!tpu.dma_semaphore, #tpu.memory_space<semaphore_mem>>) src(%arg3 : memref<8192xf32, #tpu.memory_space<hbm>>) dst(%arg10 : memref<8192xf32, #tpu.memory_space<vmem>>)
      tpu.yield
    }) : () -> ()
    "tpu.region"() ({
      %run_scoped3A = tpu.sem_alloc : memref<!tpu.dma_semaphore, #tpu.memory_space<semaphore_mem>>
      tpu.enqueue_dma source(%arg4 : memref<8192xf32, #tpu.memory_space<hbm>>) target(%arg11 : memref<8192xf32, #tpu.memory_space<vmem>>) target_semaphore(%run_scoped3A : memref<!tpu.dma_semaphore, #tpu.memory_space<semaphore_mem>>)
      tpu.wait_dma2 semaphore(%run_scoped3A : memref<!tpu.dma_semaphore, #tpu.memory_space<semaphore_mem>>) src(%arg4 : memref<8192xf32, #tpu.memory_space<hbm>>) dst(%arg11 : memref<8192xf32, #tpu.memory_space<vmem>>)
      tpu.yield
    }) : () -> ()
    "tpu.region"() ({
      %run_scoped3A = tpu.sem_alloc : memref<!tpu.dma_semaphore, #tpu.memory_space<semaphore_mem>>
      tpu.enqueue_dma source(%arg5 : memref<8192xf32, #tpu.memory_space<hbm>>) target(%arg12 : memref<8192xf32, #tpu.memory_space<vmem>>) target_semaphore(%run_scoped3A : memref<!tpu.dma_semaphore, #tpu.memory_space<semaphore_mem>>)
      tpu.wait_dma2 semaphore(%run_scoped3A : memref<!tpu.dma_semaphore, #tpu.memory_space<semaphore_mem>>) src(%arg5 : memref<8192xf32, #tpu.memory_space<hbm>>) dst(%arg12 : memref<8192xf32, #tpu.memory_space<vmem>>)
      tpu.yield
    }) : () -> ()
    "tpu.region"() ({
      %run_scoped3A = tpu.sem_alloc : memref<!tpu.dma_semaphore, #tpu.memory_space<semaphore_mem>>
      %dma_start3A = tpu.memref_slice %arg6[%mul3A_2] : memref<65536xi32, #tpu.memory_space<hbm>> -> memref<2048xi32, #tpu.memory_space<hbm>>
      %dma_start3A_10 = tpu.memref_slice %arg6[%mul3A_2] : memref<65536xi32, #tpu.memory_space<hbm>> -> memref<2048xi32, #tpu.memory_space<hbm>>
      tpu.enqueue_dma source(%dma_start3A_10 : memref<2048xi32, #tpu.memory_space<hbm>>) target(%arg13 : memref<2048xi32, #tpu.memory_space<vmem>>) target_semaphore(%run_scoped3A : memref<!tpu.dma_semaphore, #tpu.memory_space<semaphore_mem>>)
      %dma_wait3A = tpu.memref_slice %arg6[%mul3A_2] : memref<65536xi32, #tpu.memory_space<hbm>> -> memref<2048xi32, #tpu.memory_space<hbm>>
      %dma_wait3A_11 = tpu.memref_slice %arg6[%mul3A_2] : memref<65536xi32, #tpu.memory_space<hbm>> -> memref<2048xi32, #tpu.memory_space<hbm>>
      tpu.wait_dma2 semaphore(%run_scoped3A : memref<!tpu.dma_semaphore, #tpu.memory_space<semaphore_mem>>) src(%dma_wait3A_11 : memref<2048xi32, #tpu.memory_space<hbm>>) dst(%arg13 : memref<2048xi32, #tpu.memory_space<vmem>>)
      tpu.yield
    }) : () -> ()
    "tpu.region"() ({
      %run_scoped3A = tpu.sem_alloc : memref<!tpu.dma_semaphore, #tpu.memory_space<semaphore_mem>>
      %dma_start3A = tpu.memref_slice %arg7[%mul3A_2] : memref<65536xf32, #tpu.memory_space<hbm>> -> memref<2048xf32, #tpu.memory_space<hbm>>
      %dma_start3A_10 = tpu.memref_slice %arg7[%mul3A_2] : memref<65536xf32, #tpu.memory_space<hbm>> -> memref<2048xf32, #tpu.memory_space<hbm>>
      tpu.enqueue_dma source(%dma_start3A_10 : memref<2048xf32, #tpu.memory_space<hbm>>) target(%arg14 : memref<2048xf32, #tpu.memory_space<vmem>>) target_semaphore(%run_scoped3A : memref<!tpu.dma_semaphore, #tpu.memory_space<semaphore_mem>>)
      %dma_wait3A = tpu.memref_slice %arg7[%mul3A_2] : memref<65536xf32, #tpu.memory_space<hbm>> -> memref<2048xf32, #tpu.memory_space<hbm>>
      %dma_wait3A_11 = tpu.memref_slice %arg7[%mul3A_2] : memref<65536xf32, #tpu.memory_space<hbm>> -> memref<2048xf32, #tpu.memory_space<hbm>>
      tpu.wait_dma2 semaphore(%run_scoped3A : memref<!tpu.dma_semaphore, #tpu.memory_space<semaphore_mem>>) src(%dma_wait3A_11 : memref<2048xf32, #tpu.memory_space<hbm>>) dst(%arg14 : memref<2048xf32, #tpu.memory_space<vmem>>)
      tpu.yield
    }) : () -> ()
    %iota3A = tpu.iota {dimensions = array<i32: 0>} : vector<16xi32>
    %broadcast_in_dim3A = arith.constant 0.000000e+00 : f32
    %broadcast_in_dim3A_3 = vector.broadcast %broadcast_in_dim3A : f32 to vector<16xf32>
    %scan3A = arith.constant 0 : i32
    %scan3A_4 = arith.constant 128 : i32
    %scan3A_5 = arith.addi %scan3A, %scan3A_4 : i32
    %scan3A_6 = arith.constant 1 : i32
    %scan3A_7 = scf.for %scan3A_10 = %scan3A to %scan3A_5 step %scan3A_6 iter_args(%scan3A_11 = %broadcast_in_dim3A_3) -> (vector<16xf32>)  : i32 {
      %mul3A_12 = arith.constant 16 : i32
      %mul3A_13 = arith.muli %scan3A_10, %mul3A_12 : i32
      %get3A = arith.index_cast %mul3A_13 : i32 to index
      %get3A_14 = tpu.vector_load %arg13[%get3A] {strides = array<i32>} : memref<2048xi32, #tpu.memory_space<vmem>>, vector<16xi32>,
      %add3A_15 = arith.addi %mul3A_2, %mul3A_13 : i32
      %add3A_16 = vector.broadcast %add3A_15 : i32 to vector<16xi32>
      %add3A_17 = arith.addi %add3A_16, %iota3A : vector<16xi32>
      %shift_right_logical3A = arith.constant 3 : i32
      %shift_right_logical3A_18 = vector.broadcast %shift_right_logical3A : i32 to vector<16xi32>
      %shift_right_logical3A_19 = arith.shrui %add3A_17, %shift_right_logical3A_18 : vector<16xi32>
      %gather3A = tpu.vector_load_idx %arg9[%get3A_14] : memref<8192xf32, #tpu.memory_space<vmem>>[vector<16xi32>], vector<16xf32>,
      %gather3A_20 = tpu.vector_load_idx %arg9[%shift_right_logical3A_19] : memref<8192xf32, #tpu.memory_space<vmem>>[vector<16xi32>], vector<16xf32>,
      %gather3A_21 = tpu.vector_load_idx %arg10[%get3A_14] : memref<8192xf32, #tpu.memory_space<vmem>>[vector<16xi32>], vector<16xf32>,
      %gather3A_22 = tpu.vector_load_idx %arg10[%shift_right_logical3A_19] : memref<8192xf32, #tpu.memory_space<vmem>>[vector<16xi32>], vector<16xf32>,
      %gather3A_23 = tpu.vector_load_idx %arg11[%get3A_14] : memref<8192xf32, #tpu.memory_space<vmem>>[vector<16xi32>], vector<16xf32>,
      %gather3A_24 = tpu.vector_load_idx %arg11[%shift_right_logical3A_19] : memref<8192xf32, #tpu.memory_space<vmem>>[vector<16xi32>], vector<16xf32>,
      %gather3A_25 = tpu.vector_load_idx %arg12[%get3A_14] : memref<8192xf32, #tpu.memory_space<vmem>>[vector<16xi32>], vector<16xf32>,
      %gather3A_26 = tpu.vector_load_idx %arg12[%shift_right_logical3A_19] : memref<8192xf32, #tpu.memory_space<vmem>>[vector<16xi32>], vector<16xf32>,
      %get3A_27 = arith.index_cast %mul3A_13 : i32 to index
      %get3A_28 = tpu.vector_load %arg14[%get3A_27] {strides = array<i32>} : memref<2048xf32, #tpu.memory_space<vmem>>, vector<16xf32>,
      %max3A = arith.constant 9.99999996E-13 : f32
      %max3A_29 = vector.broadcast %max3A : f32 to vector<16xf32>
      %max3A_30 = arith.maximumf %get3A_28, %max3A_29 : vector<16xf32>
      %sub3A = arith.subf %gather3A_20, %gather3A : vector<16xf32>
      %sub3A_31 = arith.subf %gather3A_22, %gather3A_21 : vector<16xf32>
      %sub3A_32 = arith.subf %gather3A_24, %gather3A_23 : vector<16xf32>
      %sub3A_33 = arith.subf %gather3A_26, %gather3A_25 : vector<16xf32>
      %mul3A_34 = arith.mulf %sub3A, %sub3A : vector<16xf32>
      %mul3A_35 = arith.mulf %sub3A_31, %sub3A_31 : vector<16xf32>
      %add3A_36 = arith.addf %mul3A_34, %mul3A_35 : vector<16xf32>
      %mul3A_37 = arith.mulf %sub3A_32, %sub3A_32 : vector<16xf32>
      %add3A_38 = arith.addf %add3A_36, %mul3A_37 : vector<16xf32>
      %mul3A_39 = arith.mulf %sub3A_33, %sub3A_33 : vector<16xf32>
      %add3A_40 = arith.addf %add3A_38, %mul3A_39 : vector<16xf32>
      %div3A = arith.divf %add3A_40, %max3A_30 : vector<16xf32>
      %add3A_41 = arith.addf %scan3A_11, %div3A : vector<16xf32>
      scf.yield %add3A_41 : vector<16xf32>
    }
    %scan3A_8 = arith.constant 128 : i32
    %swap3A = arith.constant 0 : index
    %swap3A_9 = tpu.vector_load %arg15[%swap3A] {strides = array<i32>} : memref<16xf32, #tpu.memory_space<vmem>>, vector<16xf32>,
    tpu.vector_store %arg15[%swap3A], %scan3A_7 {strides = array<i32>} : memref<16xf32, #tpu.memory_space<vmem>>, vector<16xf32>,
    "tpu.region"() ({
      %run_scoped3A = tpu.sem_alloc : memref<!tpu.dma_semaphore, #tpu.memory_space<semaphore_mem>>
      %dma_start3A = arith.constant 0 : i32
      %dma_start3A_10 = tpu.memref_slice %arg8[%add3A, %dma_start3A] : memref<32x16xf32, #tpu.memory_space<hbm>> -> memref<1x16xf32, #tpu.memory_space<hbm>>
      %dma_start3A_11 = tpu.memref_squeeze %dma_start3A_10 : memref<1x16xf32, #tpu.memory_space<hbm>> -> memref<16xf32, #tpu.memory_space<hbm>>
      %dma_start3A_12 = arith.constant 0 : i32
      %dma_start3A_13 = tpu.memref_slice %arg8[%add3A, %dma_start3A_12] : memref<32x16xf32, #tpu.memory_space<hbm>> -> memref<1x16xf32, #tpu.memory_space<hbm>>
      %dma_start3A_14 = tpu.memref_squeeze %dma_start3A_13 : memref<1x16xf32, #tpu.memory_space<hbm>> -> memref<16xf32, #tpu.memory_space<hbm>>
      tpu.enqueue_dma source(%arg15 : memref<16xf32, #tpu.memory_space<vmem>>) target(%dma_start3A_14 : memref<16xf32, #tpu.memory_space<hbm>>) target_semaphore(%run_scoped3A : memref<!tpu.dma_semaphore, #tpu.memory_space<semaphore_mem>>)
      %dma_wait3A = arith.constant 0 : i32
      %dma_wait3A_15 = tpu.memref_slice %arg8[%add3A, %dma_wait3A] : memref<32x16xf32, #tpu.memory_space<hbm>> -> memref<1x16xf32, #tpu.memory_space<hbm>>
      %dma_wait3A_16 = tpu.memref_squeeze %dma_wait3A_15 : memref<1x16xf32, #tpu.memory_space<hbm>> -> memref<16xf32, #tpu.memory_space<hbm>>
      %dma_wait3A_17 = arith.constant 0 : i32
      %dma_wait3A_18 = tpu.memref_slice %arg8[%add3A, %dma_wait3A_17] : memref<32x16xf32, #tpu.memory_space<hbm>> -> memref<1x16xf32, #tpu.memory_space<hbm>>
      %dma_wait3A_19 = tpu.memref_squeeze %dma_wait3A_18 : memref<1x16xf32, #tpu.memory_space<hbm>> -> memref<16xf32, #tpu.memory_space<hbm>>
      tpu.wait_dma2 semaphore(%run_scoped3A : memref<!tpu.dma_semaphore, #tpu.memory_space<semaphore_mem>>) src(%arg15 : memref<16xf32, #tpu.memory_space<vmem>>) dst(%dma_wait3A_19 : memref<16xf32, #tpu.memory_space<hbm>>)
      tpu.yield
    }) : () -> ()
    return
  }
}

module attributes {stable_mosaic.version = 14 : i64} {
  func.func @_topk_body(%arg0: i32, %arg1: memref<1024x8xf32, #tpu.memory_space<vmem>>, %arg2: memref<8x8192xf32, #tpu.memory_space<vmem>>, %arg3: memref<1024x8xi32, #tpu.memory_space<vmem>>, %arg4: memref<1024x8xf32, #tpu.memory_space<vmem>>) attributes {dimension_semantics = [#tpu.dimension_semantics<parallel>], iteration_bounds = array<i64: 8>, scalar_prefetch = 0 : i64, scratch_operands = 0 : i64, tpu.core_type = #tpu.core_type<tc>, window_params = [{transform_indices = @transform_0, window_bounds = array<i64: 1024, 8>}, {pipeline_mode = #tpu.pipeline_mode<synchronous>, transform_indices = @transform_1, window_bounds = array<i64: 8, 8192>}, {transform_indices = @transform_2, window_bounds = array<i64: 1024, 8>}, {transform_indices = @transform_3, window_bounds = array<i64: 1024, 8>}]} {
    %get3A = arith.constant 0 : index
    %get3A_0 = arith.constant 0 : index
    %get3A_1 = vector.load %arg1[%get3A, %get3A_0] : memref<1024x8xf32, #tpu.memory_space<vmem>>, vector<1024x8xf32>
    %get3A_2 = arith.constant 0 : index
    %get3A_3 = arith.constant 0 : index
    %get3A_4 = vector.load %arg2[%get3A_2, %get3A_3] : memref<8x8192xf32, #tpu.memory_space<vmem>>, vector<8x8192xf32>
    %dot_general3A = arith.constant dense<0.000000e+00> : vector<1024x8192xf32>
    %dot_general3A_5 = tpu.matmul %get3A_1, %get3A_4, %dot_general3A {dimension_numbers = #tpu.dot_dimension_numbers<[1], [0], [0], [1], [0, 0, 1, 1], [], []>, transpose_lhs_hint = false} : vector<1024x8xf32>, vector<8x8192xf32>, vector<1024x8192xf32> -> vector<1024x8192xf32>
    %mul3A = arith.mulf %get3A_1, %get3A_1 : vector<1024x8xf32>
    %reduce_sum3A = arith.constant dense<0.000000e+00> : vector<1024xf32>
    %reduce_sum3A_6 = vector.multi_reduction <add>, %mul3A, %reduce_sum3A [1] : vector<1024x8xf32> to vector<1024xf32>
    %broadcast_in_dim3A = vector.shape_cast %reduce_sum3A_6 : vector<1024xf32> to vector<1024x1xf32>
    %mul3A_7 = arith.mulf %get3A_4, %get3A_4 : vector<8x8192xf32>
    %reduce_sum3A_8 = arith.constant dense<0.000000e+00> : vector<8192xf32>
    %reduce_sum3A_9 = vector.multi_reduction <add>, %mul3A_7, %reduce_sum3A_8 [0] : vector<8x8192xf32> to vector<8192xf32>
    %broadcast_in_dim3A_10 = vector.shape_cast %reduce_sum3A_9 : vector<8192xf32> to vector<1x8192xf32>
    %mul3A_11 = arith.constant 2.500000e-01 : f32
    %mul3A_12 = vector.broadcast %mul3A_11 : f32 to vector<1x8192xf32>
    %mul3A_13 = arith.mulf %broadcast_in_dim3A_10, %mul3A_12 : vector<1x8192xf32>
    %add3A = vector.broadcast %broadcast_in_dim3A : vector<1024x1xf32> to vector<1024x8192xf32>
    %add3A_14 = vector.broadcast %mul3A_13 : vector<1x8192xf32> to vector<1024x8192xf32>
    %add3A_15 = arith.addf %add3A, %add3A_14 : vector<1024x8192xf32>
    %add3A_16 = arith.addf %add3A_15, %dot_general3A_5 : vector<1024x8192xf32>
    %max3A = arith.constant 0.000000e+00 : f32
    %max3A_17 = vector.broadcast %max3A : f32 to vector<1024x8192xf32>
    %max3A_18 = arith.maximumf %add3A_16, %max3A_17 : vector<1024x8192xf32>
    %bitcast_convert_type3A = tpu.bitcast %max3A_18 : vector<1024x8192xf32> -> vector<1024x8192xi32>
    %not3A = arith.constant 8191 : i32
    %not3A_19 = arith.constant -1 : i32
    %not3A_20 = arith.xori %not3A, %not3A_19 : i32
    %and3A = vector.broadcast %not3A_20 : i32 to vector<1024x8192xi32>
    %and3A_21 = arith.andi %bitcast_convert_type3A, %and3A : vector<1024x8192xi32>
    %iota3A = tpu.iota {dimensions = array<i32: 1>} : vector<1x8192xi32>
    %add3A_22 = arith.constant 8388608 : i32
    %add3A_23 = vector.broadcast %add3A_22 : i32 to vector<1x8192xi32>
    %add3A_24 = arith.addi %iota3A, %add3A_23 : vector<1x8192xi32>
    %broadcast_in_dim3A_25 = arith.constant 0x7F800000 : f32
    %broadcast_in_dim3A_26 = vector.broadcast %broadcast_in_dim3A_25 : f32 to vector<1024x128xf32>
    %slice3A = vector.extract_strided_slice %and3A_21 {offsets = [0, 0], sizes = [1024, 128], strides = [1, 1]} : vector<1024x8192xi32> to vector<1024x128xi32>
    %slice3A_27 = vector.extract_strided_slice %add3A_24 {offsets = [0, 0], sizes = [1, 128], strides = [1, 1]} : vector<1x8192xi32> to vector<1x128xi32>
    %add3A_28 = vector.broadcast %slice3A_27 : vector<1x128xi32> to vector<1024x128xi32>
    %add3A_29 = arith.addi %slice3A, %add3A_28 : vector<1024x128xi32>
    %bitcast_convert_type3A_30 = tpu.bitcast %add3A_29 : vector<1024x128xi32> -> vector<1024x128xf32>
    %slice3A_31 = vector.extract_strided_slice %and3A_21 {offsets = [0, 128], sizes = [1024, 128], strides = [1, 1]} : vector<1024x8192xi32> to vector<1024x128xi32>
    %slice3A_32 = vector.extract_strided_slice %add3A_24 {offsets = [0, 128], sizes = [1, 128], strides = [1, 1]} : vector<1x8192xi32> to vector<1x128xi32>
    %add3A_33 = vector.broadcast %slice3A_32 : vector<1x128xi32> to vector<1024x128xi32>
    %add3A_34 = arith.addi %slice3A_31, %add3A_33 : vector<1024x128xi32>
    %bitcast_convert_type3A_35 = tpu.bitcast %add3A_34 : vector<1024x128xi32> -> vector<1024x128xf32>
    %slice3A_36 = vector.extract_strided_slice %and3A_21 {offsets = [0, 256], sizes = [1024, 128], strides = [1, 1]} : vector<1024x8192xi32> to vector<1024x128xi32>
    %slice3A_37 = vector.extract_strided_slice %add3A_24 {offsets = [0, 256], sizes = [1, 128], strides = [1, 1]} : vector<1x8192xi32> to vector<1x128xi32>
    %add3A_38 = vector.broadcast %slice3A_37 : vector<1x128xi32> to vector<1024x128xi32>
    %add3A_39 = arith.addi %slice3A_36, %add3A_38 : vector<1024x128xi32>
    %bitcast_convert_type3A_40 = tpu.bitcast %add3A_39 : vector<1024x128xi32> -> vector<1024x128xf32>
    %slice3A_41 = vector.extract_strided_slice %and3A_21 {offsets = [0, 384], sizes = [1024, 128], strides = [1, 1]} : vector<1024x8192xi32> to vector<1024x128xi32>
    %slice3A_42 = vector.extract_strided_slice %add3A_24 {offsets = [0, 384], sizes = [1, 128], strides = [1, 1]} : vector<1x8192xi32> to vector<1x128xi32>
    %add3A_43 = vector.broadcast %slice3A_42 : vector<1x128xi32> to vector<1024x128xi32>
    %add3A_44 = arith.addi %slice3A_41, %add3A_43 : vector<1024x128xi32>
    %bitcast_convert_type3A_45 = tpu.bitcast %add3A_44 : vector<1024x128xi32> -> vector<1024x128xf32>
    %min3A = arith.minimumf %bitcast_convert_type3A_30, %bitcast_convert_type3A_35 : vector<1024x128xf32>
    %min3A_46 = arith.minimumf %bitcast_convert_type3A_40, %bitcast_convert_type3A_45 : vector<1024x128xf32>
    %min3A_47 = arith.minimumf %min3A, %min3A_46 : vector<1024x128xf32>
    %min3A_48 = arith.minimumf %broadcast_in_dim3A_26, %min3A_47 : vector<1024x128xf32>
    %max3A_49 = arith.maximumf %broadcast_in_dim3A_26, %min3A_47 : vector<1024x128xf32>
    %min3A_50 = arith.minimumf %broadcast_in_dim3A_26, %max3A_49 : vector<1024x128xf32>
    %max3A_51 = arith.maximumf %broadcast_in_dim3A_26, %max3A_49 : vector<1024x128xf32>
    %min3A_52 = arith.minimumf %broadcast_in_dim3A_26, %max3A_51 : vector<1024x128xf32>
    %slice3A_53 = vector.extract_strided_slice %and3A_21 {offsets = [0, 512], sizes = [1024, 128], strides = [1, 1]} : vector<1024x8192xi32> to vector<1024x128xi32>
    %slice3A_54 = vector.extract_strided_slice %add3A_24 {offsets = [0, 512], sizes = [1, 128], strides = [1, 1]} : vector<1x8192xi32> to vector<1x128xi32>
    %add3A_55 = vector.broadcast %slice3A_54 : vector<1x128xi32> to vector<1024x128xi32>
    %add3A_56 = arith.addi %slice3A_53, %add3A_55 : vector<1024x128xi32>
    %bitcast_convert_type3A_57 = tpu.bitcast %add3A_56 : vector<1024x128xi32> -> vector<1024x128xf32>
    %slice3A_58 = vector.extract_strided_slice %and3A_21 {offsets = [0, 640], sizes = [1024, 128], strides = [1, 1]} : vector<1024x8192xi32> to vector<1024x128xi32>
    %slice3A_59 = vector.extract_strided_slice %add3A_24 {offsets = [0, 640], sizes = [1, 128], strides = [1, 1]} : vector<1x8192xi32> to vector<1x128xi32>
    %add3A_60 = vector.broadcast %slice3A_59 : vector<1x128xi32> to vector<1024x128xi32>
    %add3A_61 = arith.addi %slice3A_58, %add3A_60 : vector<1024x128xi32>
    %bitcast_convert_type3A_62 = tpu.bitcast %add3A_61 : vector<1024x128xi32> -> vector<1024x128xf32>
    %slice3A_63 = vector.extract_strided_slice %and3A_21 {offsets = [0, 768], sizes = [1024, 128], strides = [1, 1]} : vector<1024x8192xi32> to vector<1024x128xi32>
    %slice3A_64 = vector.extract_strided_slice %add3A_24 {offsets = [0, 768], sizes = [1, 128], strides = [1, 1]} : vector<1x8192xi32> to vector<1x128xi32>
    %add3A_65 = vector.broadcast %slice3A_64 : vector<1x128xi32> to vector<1024x128xi32>
    %add3A_66 = arith.addi %slice3A_63, %add3A_65 : vector<1024x128xi32>
    %bitcast_convert_type3A_67 = tpu.bitcast %add3A_66 : vector<1024x128xi32> -> vector<1024x128xf32>
    %slice3A_68 = vector.extract_strided_slice %and3A_21 {offsets = [0, 896], sizes = [1024, 128], strides = [1, 1]} : vector<1024x8192xi32> to vector<1024x128xi32>
    %slice3A_69 = vector.extract_strided_slice %add3A_24 {offsets = [0, 896], sizes = [1, 128], strides = [1, 1]} : vector<1x8192xi32> to vector<1x128xi32>
    %add3A_70 = vector.broadcast %slice3A_69 : vector<1x128xi32> to vector<1024x128xi32>
    %add3A_71 = arith.addi %slice3A_68, %add3A_70 : vector<1024x128xi32>
    %bitcast_convert_type3A_72 = tpu.bitcast %add3A_71 : vector<1024x128xi32> -> vector<1024x128xf32>
    %min3A_73 = arith.minimumf %bitcast_convert_type3A_57, %bitcast_convert_type3A_62 : vector<1024x128xf32>
    %min3A_74 = arith.minimumf %bitcast_convert_type3A_67, %bitcast_convert_type3A_72 : vector<1024x128xf32>
    %min3A_75 = arith.minimumf %min3A_73, %min3A_74 : vector<1024x128xf32>
    %min3A_76 = arith.minimumf %min3A_48, %min3A_75 : vector<1024x128xf32>
    %max3A_77 = arith.maximumf %min3A_48, %min3A_75 : vector<1024x128xf32>
    %min3A_78 = arith.minimumf %min3A_50, %max3A_77 : vector<1024x128xf32>
    %max3A_79 = arith.maximumf %min3A_50, %max3A_77 : vector<1024x128xf32>
    %min3A_80 = arith.minimumf %min3A_52, %max3A_79 : vector<1024x128xf32>
    %slice3A_81 = vector.extract_strided_slice %and3A_21 {offsets = [0, 1024], sizes = [1024, 128], strides = [1, 1]} : vector<1024x8192xi32> to vector<1024x128xi32>
    %slice3A_82 = vector.extract_strided_slice %add3A_24 {offsets = [0, 1024], sizes = [1, 128], strides = [1, 1]} : vector<1x8192xi32> to vector<1x128xi32>
    %add3A_83 = vector.broadcast %slice3A_82 : vector<1x128xi32> to vector<1024x128xi32>
    %add3A_84 = arith.addi %slice3A_81, %add3A_83 : vector<1024x128xi32>
    %bitcast_convert_type3A_85 = tpu.bitcast %add3A_84 : vector<1024x128xi32> -> vector<1024x128xf32>
    %slice3A_86 = vector.extract_strided_slice %and3A_21 {offsets = [0, 1152], sizes = [1024, 128], strides = [1, 1]} : vector<1024x8192xi32> to vector<1024x128xi32>
    %slice3A_87 = vector.extract_strided_slice %add3A_24 {offsets = [0, 1152], sizes = [1, 128], strides = [1, 1]} : vector<1x8192xi32> to vector<1x128xi32>
    %add3A_88 = vector.broadcast %slice3A_87 : vector<1x128xi32> to vector<1024x128xi32>
    %add3A_89 = arith.addi %slice3A_86, %add3A_88 : vector<1024x128xi32>
    %bitcast_convert_type3A_90 = tpu.bitcast %add3A_89 : vector<1024x128xi32> -> vector<1024x128xf32>
    %slice3A_91 = vector.extract_strided_slice %and3A_21 {offsets = [0, 1280], sizes = [1024, 128], strides = [1, 1]} : vector<1024x8192xi32> to vector<1024x128xi32>
    %slice3A_92 = vector.extract_strided_slice %add3A_24 {offsets = [0, 1280], sizes = [1, 128], strides = [1, 1]} : vector<1x8192xi32> to vector<1x128xi32>
    %add3A_93 = vector.broadcast %slice3A_92 : vector<1x128xi32> to vector<1024x128xi32>
    %add3A_94 = arith.addi %slice3A_91, %add3A_93 : vector<1024x128xi32>
    %bitcast_convert_type3A_95 = tpu.bitcast %add3A_94 : vector<1024x128xi32> -> vector<1024x128xf32>
    %slice3A_96 = vector.extract_strided_slice %and3A_21 {offsets = [0, 1408], sizes = [1024, 128], strides = [1, 1]} : vector<1024x8192xi32> to vector<1024x128xi32>
    %slice3A_97 = vector.extract_strided_slice %add3A_24 {offsets = [0, 1408], sizes = [1, 128], strides = [1, 1]} : vector<1x8192xi32> to vector<1x128xi32>
    %add3A_98 = vector.broadcast %slice3A_97 : vector<1x128xi32> to vector<1024x128xi32>
    %add3A_99 = arith.addi %slice3A_96, %add3A_98 : vector<1024x128xi32>
    %bitcast_convert_type3A_100 = tpu.bitcast %add3A_99 : vector<1024x128xi32> -> vector<1024x128xf32>
    %min3A_101 = arith.minimumf %bitcast_convert_type3A_85, %bitcast_convert_type3A_90 : vector<1024x128xf32>
    %min3A_102 = arith.minimumf %bitcast_convert_type3A_95, %bitcast_convert_type3A_100 : vector<1024x128xf32>
    %min3A_103 = arith.minimumf %min3A_101, %min3A_102 : vector<1024x128xf32>
    %min3A_104 = arith.minimumf %min3A_76, %min3A_103 : vector<1024x128xf32>
    %max3A_105 = arith.maximumf %min3A_76, %min3A_103 : vector<1024x128xf32>
    %min3A_106 = arith.minimumf %min3A_78, %max3A_105 : vector<1024x128xf32>
    %max3A_107 = arith.maximumf %min3A_78, %max3A_105 : vector<1024x128xf32>
    %min3A_108 = arith.minimumf %min3A_80, %max3A_107 : vector<1024x128xf32>
    %slice3A_109 = vector.extract_strided_slice %and3A_21 {offsets = [0, 1536], sizes = [1024, 128], strides = [1, 1]} : vector<1024x8192xi32> to vector<1024x128xi32>
    %slice3A_110 = vector.extract_strided_slice %add3A_24 {offsets = [0, 1536], sizes = [1, 128], strides = [1, 1]} : vector<1x8192xi32> to vector<1x128xi32>
    %add3A_111 = vector.broadcast %slice3A_110 : vector<1x128xi32> to vector<1024x128xi32>
    %add3A_112 = arith.addi %slice3A_109, %add3A_111 : vector<1024x128xi32>
    %bitcast_convert_type3A_113 = tpu.bitcast %add3A_112 : vector<1024x128xi32> -> vector<1024x128xf32>
    %slice3A_114 = vector.extract_strided_slice %and3A_21 {offsets = [0, 1664], sizes = [1024, 128], strides = [1, 1]} : vector<1024x8192xi32> to vector<1024x128xi32>
    %slice3A_115 = vector.extract_strided_slice %add3A_24 {offsets = [0, 1664], sizes = [1, 128], strides = [1, 1]} : vector<1x8192xi32> to vector<1x128xi32>
    %add3A_116 = vector.broadcast %slice3A_115 : vector<1x128xi32> to vector<1024x128xi32>
    %add3A_117 = arith.addi %slice3A_114, %add3A_116 : vector<1024x128xi32>
    %bitcast_convert_type3A_118 = tpu.bitcast %add3A_117 : vector<1024x128xi32> -> vector<1024x128xf32>
    %slice3A_119 = vector.extract_strided_slice %and3A_21 {offsets = [0, 1792], sizes = [1024, 128], strides = [1, 1]} : vector<1024x8192xi32> to vector<1024x128xi32>
    %slice3A_120 = vector.extract_strided_slice %add3A_24 {offsets = [0, 1792], sizes = [1, 128], strides = [1, 1]} : vector<1x8192xi32> to vector<1x128xi32>
    %add3A_121 = vector.broadcast %slice3A_120 : vector<1x128xi32> to vector<1024x128xi32>
    %add3A_122 = arith.addi %slice3A_119, %add3A_121 : vector<1024x128xi32>
    %bitcast_convert_type3A_123 = tpu.bitcast %add3A_122 : vector<1024x128xi32> -> vector<1024x128xf32>
    %slice3A_124 = vector.extract_strided_slice %and3A_21 {offsets = [0, 1920], sizes = [1024, 128], strides = [1, 1]} : vector<1024x8192xi32> to vector<1024x128xi32>
    %slice3A_125 = vector.extract_strided_slice %add3A_24 {offsets = [0, 1920], sizes = [1, 128], strides = [1, 1]} : vector<1x8192xi32> to vector<1x128xi32>
    %add3A_126 = vector.broadcast %slice3A_125 : vector<1x128xi32> to vector<1024x128xi32>
    %add3A_127 = arith.addi %slice3A_124, %add3A_126 : vector<1024x128xi32>
    %bitcast_convert_type3A_128 = tpu.bitcast %add3A_127 : vector<1024x128xi32> -> vector<1024x128xf32>
    %min3A_129 = arith.minimumf %bitcast_convert_type3A_113, %bitcast_convert_type3A_118 : vector<1024x128xf32>
    %min3A_130 = arith.minimumf %bitcast_convert_type3A_123, %bitcast_convert_type3A_128 : vector<1024x128xf32>
    %min3A_131 = arith.minimumf %min3A_129, %min3A_130 : vector<1024x128xf32>
    %min3A_132 = arith.minimumf %min3A_104, %min3A_131 : vector<1024x128xf32>
    %max3A_133 = arith.maximumf %min3A_104, %min3A_131 : vector<1024x128xf32>
    %min3A_134 = arith.minimumf %min3A_106, %max3A_133 : vector<1024x128xf32>
    %max3A_135 = arith.maximumf %min3A_106, %max3A_133 : vector<1024x128xf32>
    %min3A_136 = arith.minimumf %min3A_108, %max3A_135 : vector<1024x128xf32>
    %slice3A_137 = vector.extract_strided_slice %and3A_21 {offsets = [0, 2048], sizes = [1024, 128], strides = [1, 1]} : vector<1024x8192xi32> to vector<1024x128xi32>
    %slice3A_138 = vector.extract_strided_slice %add3A_24 {offsets = [0, 2048], sizes = [1, 128], strides = [1, 1]} : vector<1x8192xi32> to vector<1x128xi32>
    %add3A_139 = vector.broadcast %slice3A_138 : vector<1x128xi32> to vector<1024x128xi32>
    %add3A_140 = arith.addi %slice3A_137, %add3A_139 : vector<1024x128xi32>
    %bitcast_convert_type3A_141 = tpu.bitcast %add3A_140 : vector<1024x128xi32> -> vector<1024x128xf32>
    %slice3A_142 = vector.extract_strided_slice %and3A_21 {offsets = [0, 2176], sizes = [1024, 128], strides = [1, 1]} : vector<1024x8192xi32> to vector<1024x128xi32>
    %slice3A_143 = vector.extract_strided_slice %add3A_24 {offsets = [0, 2176], sizes = [1, 128], strides = [1, 1]} : vector<1x8192xi32> to vector<1x128xi32>
    %add3A_144 = vector.broadcast %slice3A_143 : vector<1x128xi32> to vector<1024x128xi32>
    %add3A_145 = arith.addi %slice3A_142, %add3A_144 : vector<1024x128xi32>
    %bitcast_convert_type3A_146 = tpu.bitcast %add3A_145 : vector<1024x128xi32> -> vector<1024x128xf32>
    %slice3A_147 = vector.extract_strided_slice %and3A_21 {offsets = [0, 2304], sizes = [1024, 128], strides = [1, 1]} : vector<1024x8192xi32> to vector<1024x128xi32>
    %slice3A_148 = vector.extract_strided_slice %add3A_24 {offsets = [0, 2304], sizes = [1, 128], strides = [1, 1]} : vector<1x8192xi32> to vector<1x128xi32>
    %add3A_149 = vector.broadcast %slice3A_148 : vector<1x128xi32> to vector<1024x128xi32>
    %add3A_150 = arith.addi %slice3A_147, %add3A_149 : vector<1024x128xi32>
    %bitcast_convert_type3A_151 = tpu.bitcast %add3A_150 : vector<1024x128xi32> -> vector<1024x128xf32>
    %slice3A_152 = vector.extract_strided_slice %and3A_21 {offsets = [0, 2432], sizes = [1024, 128], strides = [1, 1]} : vector<1024x8192xi32> to vector<1024x128xi32>
    %slice3A_153 = vector.extract_strided_slice %add3A_24 {offsets = [0, 2432], sizes = [1, 128], strides = [1, 1]} : vector<1x8192xi32> to vector<1x128xi32>
    %add3A_154 = vector.broadcast %slice3A_153 : vector<1x128xi32> to vector<1024x128xi32>
    %add3A_155 = arith.addi %slice3A_152, %add3A_154 : vector<1024x128xi32>
    %bitcast_convert_type3A_156 = tpu.bitcast %add3A_155 : vector<1024x128xi32> -> vector<1024x128xf32>
    %min3A_157 = arith.minimumf %bitcast_convert_type3A_141, %bitcast_convert_type3A_146 : vector<1024x128xf32>
    %min3A_158 = arith.minimumf %bitcast_convert_type3A_151, %bitcast_convert_type3A_156 : vector<1024x128xf32>
    %min3A_159 = arith.minimumf %min3A_157, %min3A_158 : vector<1024x128xf32>
    %min3A_160 = arith.minimumf %min3A_132, %min3A_159 : vector<1024x128xf32>
    %max3A_161 = arith.maximumf %min3A_132, %min3A_159 : vector<1024x128xf32>
    %min3A_162 = arith.minimumf %min3A_134, %max3A_161 : vector<1024x128xf32>
    %max3A_163 = arith.maximumf %min3A_134, %max3A_161 : vector<1024x128xf32>
    %min3A_164 = arith.minimumf %min3A_136, %max3A_163 : vector<1024x128xf32>
    %slice3A_165 = vector.extract_strided_slice %and3A_21 {offsets = [0, 2560], sizes = [1024, 128], strides = [1, 1]} : vector<1024x8192xi32> to vector<1024x128xi32>
    %slice3A_166 = vector.extract_strided_slice %add3A_24 {offsets = [0, 2560], sizes = [1, 128], strides = [1, 1]} : vector<1x8192xi32> to vector<1x128xi32>
    %add3A_167 = vector.broadcast %slice3A_166 : vector<1x128xi32> to vector<1024x128xi32>
    %add3A_168 = arith.addi %slice3A_165, %add3A_167 : vector<1024x128xi32>
    %bitcast_convert_type3A_169 = tpu.bitcast %add3A_168 : vector<1024x128xi32> -> vector<1024x128xf32>
    %slice3A_170 = vector.extract_strided_slice %and3A_21 {offsets = [0, 2688], sizes = [1024, 128], strides = [1, 1]} : vector<1024x8192xi32> to vector<1024x128xi32>
    %slice3A_171 = vector.extract_strided_slice %add3A_24 {offsets = [0, 2688], sizes = [1, 128], strides = [1, 1]} : vector<1x8192xi32> to vector<1x128xi32>
    %add3A_172 = vector.broadcast %slice3A_171 : vector<1x128xi32> to vector<1024x128xi32>
    %add3A_173 = arith.addi %slice3A_170, %add3A_172 : vector<1024x128xi32>
    %bitcast_convert_type3A_174 = tpu.bitcast %add3A_173 : vector<1024x128xi32> -> vector<1024x128xf32>
    %slice3A_175 = vector.extract_strided_slice %and3A_21 {offsets = [0, 2816], sizes = [1024, 128], strides = [1, 1]} : vector<1024x8192xi32> to vector<1024x128xi32>
    %slice3A_176 = vector.extract_strided_slice %add3A_24 {offsets = [0, 2816], sizes = [1, 128], strides = [1, 1]} : vector<1x8192xi32> to vector<1x128xi32>
    %add3A_177 = vector.broadcast %slice3A_176 : vector<1x128xi32> to vector<1024x128xi32>
    %add3A_178 = arith.addi %slice3A_175, %add3A_177 : vector<1024x128xi32>
    %bitcast_convert_type3A_179 = tpu.bitcast %add3A_178 : vector<1024x128xi32> -> vector<1024x128xf32>
    %slice3A_180 = vector.extract_strided_slice %and3A_21 {offsets = [0, 2944], sizes = [1024, 128], strides = [1, 1]} : vector<1024x8192xi32> to vector<1024x128xi32>
    %slice3A_181 = vector.extract_strided_slice %add3A_24 {offsets = [0, 2944], sizes = [1, 128], strides = [1, 1]} : vector<1x8192xi32> to vector<1x128xi32>
    %add3A_182 = vector.broadcast %slice3A_181 : vector<1x128xi32> to vector<1024x128xi32>
    %add3A_183 = arith.addi %slice3A_180, %add3A_182 : vector<1024x128xi32>
    %bitcast_convert_type3A_184 = tpu.bitcast %add3A_183 : vector<1024x128xi32> -> vector<1024x128xf32>
    %min3A_185 = arith.minimumf %bitcast_convert_type3A_169, %bitcast_convert_type3A_174 : vector<1024x128xf32>
    %min3A_186 = arith.minimumf %bitcast_convert_type3A_179, %bitcast_convert_type3A_184 : vector<1024x128xf32>
    %min3A_187 = arith.minimumf %min3A_185, %min3A_186 : vector<1024x128xf32>
    %min3A_188 = arith.minimumf %min3A_160, %min3A_187 : vector<1024x128xf32>
    %max3A_189 = arith.maximumf %min3A_160, %min3A_187 : vector<1024x128xf32>
    %min3A_190 = arith.minimumf %min3A_162, %max3A_189 : vector<1024x128xf32>
    %max3A_191 = arith.maximumf %min3A_162, %max3A_189 : vector<1024x128xf32>
    %min3A_192 = arith.minimumf %min3A_164, %max3A_191 : vector<1024x128xf32>
    %slice3A_193 = vector.extract_strided_slice %and3A_21 {offsets = [0, 3072], sizes = [1024, 128], strides = [1, 1]} : vector<1024x8192xi32> to vector<1024x128xi32>
    %slice3A_194 = vector.extract_strided_slice %add3A_24 {offsets = [0, 3072], sizes = [1, 128], strides = [1, 1]} : vector<1x8192xi32> to vector<1x128xi32>
    %add3A_195 = vector.broadcast %slice3A_194 : vector<1x128xi32> to vector<1024x128xi32>
    %add3A_196 = arith.addi %slice3A_193, %add3A_195 : vector<1024x128xi32>
    %bitcast_convert_type3A_197 = tpu.bitcast %add3A_196 : vector<1024x128xi32> -> vector<1024x128xf32>
    %slice3A_198 = vector.extract_strided_slice %and3A_21 {offsets = [0, 3200], sizes = [1024, 128], strides = [1, 1]} : vector<1024x8192xi32> to vector<1024x128xi32>
    %slice3A_199 = vector.extract_strided_slice %add3A_24 {offsets = [0, 3200], sizes = [1, 128], strides = [1, 1]} : vector<1x8192xi32> to vector<1x128xi32>
    %add3A_200 = vector.broadcast %slice3A_199 : vector<1x128xi32> to vector<1024x128xi32>
    %add3A_201 = arith.addi %slice3A_198, %add3A_200 : vector<1024x128xi32>
    %bitcast_convert_type3A_202 = tpu.bitcast %add3A_201 : vector<1024x128xi32> -> vector<1024x128xf32>
    %slice3A_203 = vector.extract_strided_slice %and3A_21 {offsets = [0, 3328], sizes = [1024, 128], strides = [1, 1]} : vector<1024x8192xi32> to vector<1024x128xi32>
    %slice3A_204 = vector.extract_strided_slice %add3A_24 {offsets = [0, 3328], sizes = [1, 128], strides = [1, 1]} : vector<1x8192xi32> to vector<1x128xi32>
    %add3A_205 = vector.broadcast %slice3A_204 : vector<1x128xi32> to vector<1024x128xi32>
    %add3A_206 = arith.addi %slice3A_203, %add3A_205 : vector<1024x128xi32>
    %bitcast_convert_type3A_207 = tpu.bitcast %add3A_206 : vector<1024x128xi32> -> vector<1024x128xf32>
    %slice3A_208 = vector.extract_strided_slice %and3A_21 {offsets = [0, 3456], sizes = [1024, 128], strides = [1, 1]} : vector<1024x8192xi32> to vector<1024x128xi32>
    %slice3A_209 = vector.extract_strided_slice %add3A_24 {offsets = [0, 3456], sizes = [1, 128], strides = [1, 1]} : vector<1x8192xi32> to vector<1x128xi32>
    %add3A_210 = vector.broadcast %slice3A_209 : vector<1x128xi32> to vector<1024x128xi32>
    %add3A_211 = arith.addi %slice3A_208, %add3A_210 : vector<1024x128xi32>
    %bitcast_convert_type3A_212 = tpu.bitcast %add3A_211 : vector<1024x128xi32> -> vector<1024x128xf32>
    %min3A_213 = arith.minimumf %bitcast_convert_type3A_197, %bitcast_convert_type3A_202 : vector<1024x128xf32>
    %min3A_214 = arith.minimumf %bitcast_convert_type3A_207, %bitcast_convert_type3A_212 : vector<1024x128xf32>
    %min3A_215 = arith.minimumf %min3A_213, %min3A_214 : vector<1024x128xf32>
    %min3A_216 = arith.minimumf %min3A_188, %min3A_215 : vector<1024x128xf32>
    %max3A_217 = arith.maximumf %min3A_188, %min3A_215 : vector<1024x128xf32>
    %min3A_218 = arith.minimumf %min3A_190, %max3A_217 : vector<1024x128xf32>
    %max3A_219 = arith.maximumf %min3A_190, %max3A_217 : vector<1024x128xf32>
    %min3A_220 = arith.minimumf %min3A_192, %max3A_219 : vector<1024x128xf32>
    %slice3A_221 = vector.extract_strided_slice %and3A_21 {offsets = [0, 3584], sizes = [1024, 128], strides = [1, 1]} : vector<1024x8192xi32> to vector<1024x128xi32>
    %slice3A_222 = vector.extract_strided_slice %add3A_24 {offsets = [0, 3584], sizes = [1, 128], strides = [1, 1]} : vector<1x8192xi32> to vector<1x128xi32>
    %add3A_223 = vector.broadcast %slice3A_222 : vector<1x128xi32> to vector<1024x128xi32>
    %add3A_224 = arith.addi %slice3A_221, %add3A_223 : vector<1024x128xi32>
    %bitcast_convert_type3A_225 = tpu.bitcast %add3A_224 : vector<1024x128xi32> -> vector<1024x128xf32>
    %slice3A_226 = vector.extract_strided_slice %and3A_21 {offsets = [0, 3712], sizes = [1024, 128], strides = [1, 1]} : vector<1024x8192xi32> to vector<1024x128xi32>
    %slice3A_227 = vector.extract_strided_slice %add3A_24 {offsets = [0, 3712], sizes = [1, 128], strides = [1, 1]} : vector<1x8192xi32> to vector<1x128xi32>
    %add3A_228 = vector.broadcast %slice3A_227 : vector<1x128xi32> to vector<1024x128xi32>
    %add3A_229 = arith.addi %slice3A_226, %add3A_228 : vector<1024x128xi32>
    %bitcast_convert_type3A_230 = tpu.bitcast %add3A_229 : vector<1024x128xi32> -> vector<1024x128xf32>
    %slice3A_231 = vector.extract_strided_slice %and3A_21 {offsets = [0, 3840], sizes = [1024, 128], strides = [1, 1]} : vector<1024x8192xi32> to vector<1024x128xi32>
    %slice3A_232 = vector.extract_strided_slice %add3A_24 {offsets = [0, 3840], sizes = [1, 128], strides = [1, 1]} : vector<1x8192xi32> to vector<1x128xi32>
    %add3A_233 = vector.broadcast %slice3A_232 : vector<1x128xi32> to vector<1024x128xi32>
    %add3A_234 = arith.addi %slice3A_231, %add3A_233 : vector<1024x128xi32>
    %bitcast_convert_type3A_235 = tpu.bitcast %add3A_234 : vector<1024x128xi32> -> vector<1024x128xf32>
    %slice3A_236 = vector.extract_strided_slice %and3A_21 {offsets = [0, 3968], sizes = [1024, 128], strides = [1, 1]} : vector<1024x8192xi32> to vector<1024x128xi32>
    %slice3A_237 = vector.extract_strided_slice %add3A_24 {offsets = [0, 3968], sizes = [1, 128], strides = [1, 1]} : vector<1x8192xi32> to vector<1x128xi32>
    %add3A_238 = vector.broadcast %slice3A_237 : vector<1x128xi32> to vector<1024x128xi32>
    %add3A_239 = arith.addi %slice3A_236, %add3A_238 : vector<1024x128xi32>
    %bitcast_convert_type3A_240 = tpu.bitcast %add3A_239 : vector<1024x128xi32> -> vector<1024x128xf32>
    %min3A_241 = arith.minimumf %bitcast_convert_type3A_225, %bitcast_convert_type3A_230 : vector<1024x128xf32>
    %min3A_242 = arith.minimumf %bitcast_convert_type3A_235, %bitcast_convert_type3A_240 : vector<1024x128xf32>
    %min3A_243 = arith.minimumf %min3A_241, %min3A_242 : vector<1024x128xf32>
    %min3A_244 = arith.minimumf %min3A_216, %min3A_243 : vector<1024x128xf32>
    %max3A_245 = arith.maximumf %min3A_216, %min3A_243 : vector<1024x128xf32>
    %min3A_246 = arith.minimumf %min3A_218, %max3A_245 : vector<1024x128xf32>
    %max3A_247 = arith.maximumf %min3A_218, %max3A_245 : vector<1024x128xf32>
    %min3A_248 = arith.minimumf %min3A_220, %max3A_247 : vector<1024x128xf32>
    %slice3A_249 = vector.extract_strided_slice %and3A_21 {offsets = [0, 4096], sizes = [1024, 128], strides = [1, 1]} : vector<1024x8192xi32> to vector<1024x128xi32>
    %slice3A_250 = vector.extract_strided_slice %add3A_24 {offsets = [0, 4096], sizes = [1, 128], strides = [1, 1]} : vector<1x8192xi32> to vector<1x128xi32>
    %add3A_251 = vector.broadcast %slice3A_250 : vector<1x128xi32> to vector<1024x128xi32>
    %add3A_252 = arith.addi %slice3A_249, %add3A_251 : vector<1024x128xi32>
    %bitcast_convert_type3A_253 = tpu.bitcast %add3A_252 : vector<1024x128xi32> -> vector<1024x128xf32>
    %slice3A_254 = vector.extract_strided_slice %and3A_21 {offsets = [0, 4224], sizes = [1024, 128], strides = [1, 1]} : vector<1024x8192xi32> to vector<1024x128xi32>
    %slice3A_255 = vector.extract_strided_slice %add3A_24 {offsets = [0, 4224], sizes = [1, 128], strides = [1, 1]} : vector<1x8192xi32> to vector<1x128xi32>
    %add3A_256 = vector.broadcast %slice3A_255 : vector<1x128xi32> to vector<1024x128xi32>
    %add3A_257 = arith.addi %slice3A_254, %add3A_256 : vector<1024x128xi32>
    %bitcast_convert_type3A_258 = tpu.bitcast %add3A_257 : vector<1024x128xi32> -> vector<1024x128xf32>
    %slice3A_259 = vector.extract_strided_slice %and3A_21 {offsets = [0, 4352], sizes = [1024, 128], strides = [1, 1]} : vector<1024x8192xi32> to vector<1024x128xi32>
    %slice3A_260 = vector.extract_strided_slice %add3A_24 {offsets = [0, 4352], sizes = [1, 128], strides = [1, 1]} : vector<1x8192xi32> to vector<1x128xi32>
    %add3A_261 = vector.broadcast %slice3A_260 : vector<1x128xi32> to vector<1024x128xi32>
    %add3A_262 = arith.addi %slice3A_259, %add3A_261 : vector<1024x128xi32>
    %bitcast_convert_type3A_263 = tpu.bitcast %add3A_262 : vector<1024x128xi32> -> vector<1024x128xf32>
    %slice3A_264 = vector.extract_strided_slice %and3A_21 {offsets = [0, 4480], sizes = [1024, 128], strides = [1, 1]} : vector<1024x8192xi32> to vector<1024x128xi32>
    %slice3A_265 = vector.extract_strided_slice %add3A_24 {offsets = [0, 4480], sizes = [1, 128], strides = [1, 1]} : vector<1x8192xi32> to vector<1x128xi32>
    %add3A_266 = vector.broadcast %slice3A_265 : vector<1x128xi32> to vector<1024x128xi32>
    %add3A_267 = arith.addi %slice3A_264, %add3A_266 : vector<1024x128xi32>
    %bitcast_convert_type3A_268 = tpu.bitcast %add3A_267 : vector<1024x128xi32> -> vector<1024x128xf32>
    %min3A_269 = arith.minimumf %bitcast_convert_type3A_253, %bitcast_convert_type3A_258 : vector<1024x128xf32>
    %min3A_270 = arith.minimumf %bitcast_convert_type3A_263, %bitcast_convert_type3A_268 : vector<1024x128xf32>
    %min3A_271 = arith.minimumf %min3A_269, %min3A_270 : vector<1024x128xf32>
    %min3A_272 = arith.minimumf %min3A_244, %min3A_271 : vector<1024x128xf32>
    %max3A_273 = arith.maximumf %min3A_244, %min3A_271 : vector<1024x128xf32>
    %min3A_274 = arith.minimumf %min3A_246, %max3A_273 : vector<1024x128xf32>
    %max3A_275 = arith.maximumf %min3A_246, %max3A_273 : vector<1024x128xf32>
    %min3A_276 = arith.minimumf %min3A_248, %max3A_275 : vector<1024x128xf32>
    %slice3A_277 = vector.extract_strided_slice %and3A_21 {offsets = [0, 4608], sizes = [1024, 128], strides = [1, 1]} : vector<1024x8192xi32> to vector<1024x128xi32>
    %slice3A_278 = vector.extract_strided_slice %add3A_24 {offsets = [0, 4608], sizes = [1, 128], strides = [1, 1]} : vector<1x8192xi32> to vector<1x128xi32>
    %add3A_279 = vector.broadcast %slice3A_278 : vector<1x128xi32> to vector<1024x128xi32>
    %add3A_280 = arith.addi %slice3A_277, %add3A_279 : vector<1024x128xi32>
    %bitcast_convert_type3A_281 = tpu.bitcast %add3A_280 : vector<1024x128xi32> -> vector<1024x128xf32>
    %slice3A_282 = vector.extract_strided_slice %and3A_21 {offsets = [0, 4736], sizes = [1024, 128], strides = [1, 1]} : vector<1024x8192xi32> to vector<1024x128xi32>
    %slice3A_283 = vector.extract_strided_slice %add3A_24 {offsets = [0, 4736], sizes = [1, 128], strides = [1, 1]} : vector<1x8192xi32> to vector<1x128xi32>
    %add3A_284 = vector.broadcast %slice3A_283 : vector<1x128xi32> to vector<1024x128xi32>
    %add3A_285 = arith.addi %slice3A_282, %add3A_284 : vector<1024x128xi32>
    %bitcast_convert_type3A_286 = tpu.bitcast %add3A_285 : vector<1024x128xi32> -> vector<1024x128xf32>
    %slice3A_287 = vector.extract_strided_slice %and3A_21 {offsets = [0, 4864], sizes = [1024, 128], strides = [1, 1]} : vector<1024x8192xi32> to vector<1024x128xi32>
    %slice3A_288 = vector.extract_strided_slice %add3A_24 {offsets = [0, 4864], sizes = [1, 128], strides = [1, 1]} : vector<1x8192xi32> to vector<1x128xi32>
    %add3A_289 = vector.broadcast %slice3A_288 : vector<1x128xi32> to vector<1024x128xi32>
    %add3A_290 = arith.addi %slice3A_287, %add3A_289 : vector<1024x128xi32>
    %bitcast_convert_type3A_291 = tpu.bitcast %add3A_290 : vector<1024x128xi32> -> vector<1024x128xf32>
    %slice3A_292 = vector.extract_strided_slice %and3A_21 {offsets = [0, 4992], sizes = [1024, 128], strides = [1, 1]} : vector<1024x8192xi32> to vector<1024x128xi32>
    %slice3A_293 = vector.extract_strided_slice %add3A_24 {offsets = [0, 4992], sizes = [1, 128], strides = [1, 1]} : vector<1x8192xi32> to vector<1x128xi32>
    %add3A_294 = vector.broadcast %slice3A_293 : vector<1x128xi32> to vector<1024x128xi32>
    %add3A_295 = arith.addi %slice3A_292, %add3A_294 : vector<1024x128xi32>
    %bitcast_convert_type3A_296 = tpu.bitcast %add3A_295 : vector<1024x128xi32> -> vector<1024x128xf32>
    %min3A_297 = arith.minimumf %bitcast_convert_type3A_281, %bitcast_convert_type3A_286 : vector<1024x128xf32>
    %min3A_298 = arith.minimumf %bitcast_convert_type3A_291, %bitcast_convert_type3A_296 : vector<1024x128xf32>
    %min3A_299 = arith.minimumf %min3A_297, %min3A_298 : vector<1024x128xf32>
    %min3A_300 = arith.minimumf %min3A_272, %min3A_299 : vector<1024x128xf32>
    %max3A_301 = arith.maximumf %min3A_272, %min3A_299 : vector<1024x128xf32>
    %min3A_302 = arith.minimumf %min3A_274, %max3A_301 : vector<1024x128xf32>
    %max3A_303 = arith.maximumf %min3A_274, %max3A_301 : vector<1024x128xf32>
    %min3A_304 = arith.minimumf %min3A_276, %max3A_303 : vector<1024x128xf32>
    %slice3A_305 = vector.extract_strided_slice %and3A_21 {offsets = [0, 5120], sizes = [1024, 128], strides = [1, 1]} : vector<1024x8192xi32> to vector<1024x128xi32>
    %slice3A_306 = vector.extract_strided_slice %add3A_24 {offsets = [0, 5120], sizes = [1, 128], strides = [1, 1]} : vector<1x8192xi32> to vector<1x128xi32>
    %add3A_307 = vector.broadcast %slice3A_306 : vector<1x128xi32> to vector<1024x128xi32>
    %add3A_308 = arith.addi %slice3A_305, %add3A_307 : vector<1024x128xi32>
    %bitcast_convert_type3A_309 = tpu.bitcast %add3A_308 : vector<1024x128xi32> -> vector<1024x128xf32>
    %slice3A_310 = vector.extract_strided_slice %and3A_21 {offsets = [0, 5248], sizes = [1024, 128], strides = [1, 1]} : vector<1024x8192xi32> to vector<1024x128xi32>
    %slice3A_311 = vector.extract_strided_slice %add3A_24 {offsets = [0, 5248], sizes = [1, 128], strides = [1, 1]} : vector<1x8192xi32> to vector<1x128xi32>
    %add3A_312 = vector.broadcast %slice3A_311 : vector<1x128xi32> to vector<1024x128xi32>
    %add3A_313 = arith.addi %slice3A_310, %add3A_312 : vector<1024x128xi32>
    %bitcast_convert_type3A_314 = tpu.bitcast %add3A_313 : vector<1024x128xi32> -> vector<1024x128xf32>
    %slice3A_315 = vector.extract_strided_slice %and3A_21 {offsets = [0, 5376], sizes = [1024, 128], strides = [1, 1]} : vector<1024x8192xi32> to vector<1024x128xi32>
    %slice3A_316 = vector.extract_strided_slice %add3A_24 {offsets = [0, 5376], sizes = [1, 128], strides = [1, 1]} : vector<1x8192xi32> to vector<1x128xi32>
    %add3A_317 = vector.broadcast %slice3A_316 : vector<1x128xi32> to vector<1024x128xi32>
    %add3A_318 = arith.addi %slice3A_315, %add3A_317 : vector<1024x128xi32>
    %bitcast_convert_type3A_319 = tpu.bitcast %add3A_318 : vector<1024x128xi32> -> vector<1024x128xf32>
    %slice3A_320 = vector.extract_strided_slice %and3A_21 {offsets = [0, 5504], sizes = [1024, 128], strides = [1, 1]} : vector<1024x8192xi32> to vector<1024x128xi32>
    %slice3A_321 = vector.extract_strided_slice %add3A_24 {offsets = [0, 5504], sizes = [1, 128], strides = [1, 1]} : vector<1x8192xi32> to vector<1x128xi32>
    %add3A_322 = vector.broadcast %slice3A_321 : vector<1x128xi32> to vector<1024x128xi32>
    %add3A_323 = arith.addi %slice3A_320, %add3A_322 : vector<1024x128xi32>
    %bitcast_convert_type3A_324 = tpu.bitcast %add3A_323 : vector<1024x128xi32> -> vector<1024x128xf32>
    %min3A_325 = arith.minimumf %bitcast_convert_type3A_309, %bitcast_convert_type3A_314 : vector<1024x128xf32>
    %min3A_326 = arith.minimumf %bitcast_convert_type3A_319, %bitcast_convert_type3A_324 : vector<1024x128xf32>
    %min3A_327 = arith.minimumf %min3A_325, %min3A_326 : vector<1024x128xf32>
    %min3A_328 = arith.minimumf %min3A_300, %min3A_327 : vector<1024x128xf32>
    %max3A_329 = arith.maximumf %min3A_300, %min3A_327 : vector<1024x128xf32>
    %min3A_330 = arith.minimumf %min3A_302, %max3A_329 : vector<1024x128xf32>
    %max3A_331 = arith.maximumf %min3A_302, %max3A_329 : vector<1024x128xf32>
    %min3A_332 = arith.minimumf %min3A_304, %max3A_331 : vector<1024x128xf32>
    %slice3A_333 = vector.extract_strided_slice %and3A_21 {offsets = [0, 5632], sizes = [1024, 128], strides = [1, 1]} : vector<1024x8192xi32> to vector<1024x128xi32>
    %slice3A_334 = vector.extract_strided_slice %add3A_24 {offsets = [0, 5632], sizes = [1, 128], strides = [1, 1]} : vector<1x8192xi32> to vector<1x128xi32>
    %add3A_335 = vector.broadcast %slice3A_334 : vector<1x128xi32> to vector<1024x128xi32>
    %add3A_336 = arith.addi %slice3A_333, %add3A_335 : vector<1024x128xi32>
    %bitcast_convert_type3A_337 = tpu.bitcast %add3A_336 : vector<1024x128xi32> -> vector<1024x128xf32>
    %slice3A_338 = vector.extract_strided_slice %and3A_21 {offsets = [0, 5760], sizes = [1024, 128], strides = [1, 1]} : vector<1024x8192xi32> to vector<1024x128xi32>
    %slice3A_339 = vector.extract_strided_slice %add3A_24 {offsets = [0, 5760], sizes = [1, 128], strides = [1, 1]} : vector<1x8192xi32> to vector<1x128xi32>
    %add3A_340 = vector.broadcast %slice3A_339 : vector<1x128xi32> to vector<1024x128xi32>
    %add3A_341 = arith.addi %slice3A_338, %add3A_340 : vector<1024x128xi32>
    %bitcast_convert_type3A_342 = tpu.bitcast %add3A_341 : vector<1024x128xi32> -> vector<1024x128xf32>
    %slice3A_343 = vector.extract_strided_slice %and3A_21 {offsets = [0, 5888], sizes = [1024, 128], strides = [1, 1]} : vector<1024x8192xi32> to vector<1024x128xi32>
    %slice3A_344 = vector.extract_strided_slice %add3A_24 {offsets = [0, 5888], sizes = [1, 128], strides = [1, 1]} : vector<1x8192xi32> to vector<1x128xi32>
    %add3A_345 = vector.broadcast %slice3A_344 : vector<1x128xi32> to vector<1024x128xi32>
    %add3A_346 = arith.addi %slice3A_343, %add3A_345 : vector<1024x128xi32>
    %bitcast_convert_type3A_347 = tpu.bitcast %add3A_346 : vector<1024x128xi32> -> vector<1024x128xf32>
    %slice3A_348 = vector.extract_strided_slice %and3A_21 {offsets = [0, 6016], sizes = [1024, 128], strides = [1, 1]} : vector<1024x8192xi32> to vector<1024x128xi32>
    %slice3A_349 = vector.extract_strided_slice %add3A_24 {offsets = [0, 6016], sizes = [1, 128], strides = [1, 1]} : vector<1x8192xi32> to vector<1x128xi32>
    %add3A_350 = vector.broadcast %slice3A_349 : vector<1x128xi32> to vector<1024x128xi32>
    %add3A_351 = arith.addi %slice3A_348, %add3A_350 : vector<1024x128xi32>
    %bitcast_convert_type3A_352 = tpu.bitcast %add3A_351 : vector<1024x128xi32> -> vector<1024x128xf32>
    %min3A_353 = arith.minimumf %bitcast_convert_type3A_337, %bitcast_convert_type3A_342 : vector<1024x128xf32>
    %min3A_354 = arith.minimumf %bitcast_convert_type3A_347, %bitcast_convert_type3A_352 : vector<1024x128xf32>
    %min3A_355 = arith.minimumf %min3A_353, %min3A_354 : vector<1024x128xf32>
    %min3A_356 = arith.minimumf %min3A_328, %min3A_355 : vector<1024x128xf32>
    %max3A_357 = arith.maximumf %min3A_328, %min3A_355 : vector<1024x128xf32>
    %min3A_358 = arith.minimumf %min3A_330, %max3A_357 : vector<1024x128xf32>
    %max3A_359 = arith.maximumf %min3A_330, %max3A_357 : vector<1024x128xf32>
    %min3A_360 = arith.minimumf %min3A_332, %max3A_359 : vector<1024x128xf32>
    %slice3A_361 = vector.extract_strided_slice %and3A_21 {offsets = [0, 6144], sizes = [1024, 128], strides = [1, 1]} : vector<1024x8192xi32> to vector<1024x128xi32>
    %slice3A_362 = vector.extract_strided_slice %add3A_24 {offsets = [0, 6144], sizes = [1, 128], strides = [1, 1]} : vector<1x8192xi32> to vector<1x128xi32>
    %add3A_363 = vector.broadcast %slice3A_362 : vector<1x128xi32> to vector<1024x128xi32>
    %add3A_364 = arith.addi %slice3A_361, %add3A_363 : vector<1024x128xi32>
    %bitcast_convert_type3A_365 = tpu.bitcast %add3A_364 : vector<1024x128xi32> -> vector<1024x128xf32>
    %slice3A_366 = vector.extract_strided_slice %and3A_21 {offsets = [0, 6272], sizes = [1024, 128], strides = [1, 1]} : vector<1024x8192xi32> to vector<1024x128xi32>
    %slice3A_367 = vector.extract_strided_slice %add3A_24 {offsets = [0, 6272], sizes = [1, 128], strides = [1, 1]} : vector<1x8192xi32> to vector<1x128xi32>
    %add3A_368 = vector.broadcast %slice3A_367 : vector<1x128xi32> to vector<1024x128xi32>
    %add3A_369 = arith.addi %slice3A_366, %add3A_368 : vector<1024x128xi32>
    %bitcast_convert_type3A_370 = tpu.bitcast %add3A_369 : vector<1024x128xi32> -> vector<1024x128xf32>
    %slice3A_371 = vector.extract_strided_slice %and3A_21 {offsets = [0, 6400], sizes = [1024, 128], strides = [1, 1]} : vector<1024x8192xi32> to vector<1024x128xi32>
    %slice3A_372 = vector.extract_strided_slice %add3A_24 {offsets = [0, 6400], sizes = [1, 128], strides = [1, 1]} : vector<1x8192xi32> to vector<1x128xi32>
    %add3A_373 = vector.broadcast %slice3A_372 : vector<1x128xi32> to vector<1024x128xi32>
    %add3A_374 = arith.addi %slice3A_371, %add3A_373 : vector<1024x128xi32>
    %bitcast_convert_type3A_375 = tpu.bitcast %add3A_374 : vector<1024x128xi32> -> vector<1024x128xf32>
    %slice3A_376 = vector.extract_strided_slice %and3A_21 {offsets = [0, 6528], sizes = [1024, 128], strides = [1, 1]} : vector<1024x8192xi32> to vector<1024x128xi32>
    %slice3A_377 = vector.extract_strided_slice %add3A_24 {offsets = [0, 6528], sizes = [1, 128], strides = [1, 1]} : vector<1x8192xi32> to vector<1x128xi32>
    %add3A_378 = vector.broadcast %slice3A_377 : vector<1x128xi32> to vector<1024x128xi32>
    %add3A_379 = arith.addi %slice3A_376, %add3A_378 : vector<1024x128xi32>
    %bitcast_convert_type3A_380 = tpu.bitcast %add3A_379 : vector<1024x128xi32> -> vector<1024x128xf32>
    %min3A_381 = arith.minimumf %bitcast_convert_type3A_365, %bitcast_convert_type3A_370 : vector<1024x128xf32>
    %min3A_382 = arith.minimumf %bitcast_convert_type3A_375, %bitcast_convert_type3A_380 : vector<1024x128xf32>
    %min3A_383 = arith.minimumf %min3A_381, %min3A_382 : vector<1024x128xf32>
    %min3A_384 = arith.minimumf %min3A_356, %min3A_383 : vector<1024x128xf32>
    %max3A_385 = arith.maximumf %min3A_356, %min3A_383 : vector<1024x128xf32>
    %min3A_386 = arith.minimumf %min3A_358, %max3A_385 : vector<1024x128xf32>
    %max3A_387 = arith.maximumf %min3A_358, %max3A_385 : vector<1024x128xf32>
    %min3A_388 = arith.minimumf %min3A_360, %max3A_387 : vector<1024x128xf32>
    %slice3A_389 = vector.extract_strided_slice %and3A_21 {offsets = [0, 6656], sizes = [1024, 128], strides = [1, 1]} : vector<1024x8192xi32> to vector<1024x128xi32>
    %slice3A_390 = vector.extract_strided_slice %add3A_24 {offsets = [0, 6656], sizes = [1, 128], strides = [1, 1]} : vector<1x8192xi32> to vector<1x128xi32>
    %add3A_391 = vector.broadcast %slice3A_390 : vector<1x128xi32> to vector<1024x128xi32>
    %add3A_392 = arith.addi %slice3A_389, %add3A_391 : vector<1024x128xi32>
    %bitcast_convert_type3A_393 = tpu.bitcast %add3A_392 : vector<1024x128xi32> -> vector<1024x128xf32>
    %slice3A_394 = vector.extract_strided_slice %and3A_21 {offsets = [0, 6784], sizes = [1024, 128], strides = [1, 1]} : vector<1024x8192xi32> to vector<1024x128xi32>
    %slice3A_395 = vector.extract_strided_slice %add3A_24 {offsets = [0, 6784], sizes = [1, 128], strides = [1, 1]} : vector<1x8192xi32> to vector<1x128xi32>
    %add3A_396 = vector.broadcast %slice3A_395 : vector<1x128xi32> to vector<1024x128xi32>
    %add3A_397 = arith.addi %slice3A_394, %add3A_396 : vector<1024x128xi32>
    %bitcast_convert_type3A_398 = tpu.bitcast %add3A_397 : vector<1024x128xi32> -> vector<1024x128xf32>
    %slice3A_399 = vector.extract_strided_slice %and3A_21 {offsets = [0, 6912], sizes = [1024, 128], strides = [1, 1]} : vector<1024x8192xi32> to vector<1024x128xi32>
    %slice3A_400 = vector.extract_strided_slice %add3A_24 {offsets = [0, 6912], sizes = [1, 128], strides = [1, 1]} : vector<1x8192xi32> to vector<1x128xi32>
    %add3A_401 = vector.broadcast %slice3A_400 : vector<1x128xi32> to vector<1024x128xi32>
    %add3A_402 = arith.addi %slice3A_399, %add3A_401 : vector<1024x128xi32>
    %bitcast_convert_type3A_403 = tpu.bitcast %add3A_402 : vector<1024x128xi32> -> vector<1024x128xf32>
    %slice3A_404 = vector.extract_strided_slice %and3A_21 {offsets = [0, 7040], sizes = [1024, 128], strides = [1, 1]} : vector<1024x8192xi32> to vector<1024x128xi32>
    %slice3A_405 = vector.extract_strided_slice %add3A_24 {offsets = [0, 7040], sizes = [1, 128], strides = [1, 1]} : vector<1x8192xi32> to vector<1x128xi32>
    %add3A_406 = vector.broadcast %slice3A_405 : vector<1x128xi32> to vector<1024x128xi32>
    %add3A_407 = arith.addi %slice3A_404, %add3A_406 : vector<1024x128xi32>
    %bitcast_convert_type3A_408 = tpu.bitcast %add3A_407 : vector<1024x128xi32> -> vector<1024x128xf32>
    %min3A_409 = arith.minimumf %bitcast_convert_type3A_393, %bitcast_convert_type3A_398 : vector<1024x128xf32>
    %min3A_410 = arith.minimumf %bitcast_convert_type3A_403, %bitcast_convert_type3A_408 : vector<1024x128xf32>
    %min3A_411 = arith.minimumf %min3A_409, %min3A_410 : vector<1024x128xf32>
    %min3A_412 = arith.minimumf %min3A_384, %min3A_411 : vector<1024x128xf32>
    %max3A_413 = arith.maximumf %min3A_384, %min3A_411 : vector<1024x128xf32>
    %min3A_414 = arith.minimumf %min3A_386, %max3A_413 : vector<1024x128xf32>
    %max3A_415 = arith.maximumf %min3A_386, %max3A_413 : vector<1024x128xf32>
    %min3A_416 = arith.minimumf %min3A_388, %max3A_415 : vector<1024x128xf32>
    %slice3A_417 = vector.extract_strided_slice %and3A_21 {offsets = [0, 7168], sizes = [1024, 128], strides = [1, 1]} : vector<1024x8192xi32> to vector<1024x128xi32>
    %slice3A_418 = vector.extract_strided_slice %add3A_24 {offsets = [0, 7168], sizes = [1, 128], strides = [1, 1]} : vector<1x8192xi32> to vector<1x128xi32>
    %add3A_419 = vector.broadcast %slice3A_418 : vector<1x128xi32> to vector<1024x128xi32>
    %add3A_420 = arith.addi %slice3A_417, %add3A_419 : vector<1024x128xi32>
    %bitcast_convert_type3A_421 = tpu.bitcast %add3A_420 : vector<1024x128xi32> -> vector<1024x128xf32>
    %slice3A_422 = vector.extract_strided_slice %and3A_21 {offsets = [0, 7296], sizes = [1024, 128], strides = [1, 1]} : vector<1024x8192xi32> to vector<1024x128xi32>
    %slice3A_423 = vector.extract_strided_slice %add3A_24 {offsets = [0, 7296], sizes = [1, 128], strides = [1, 1]} : vector<1x8192xi32> to vector<1x128xi32>
    %add3A_424 = vector.broadcast %slice3A_423 : vector<1x128xi32> to vector<1024x128xi32>
    %add3A_425 = arith.addi %slice3A_422, %add3A_424 : vector<1024x128xi32>
    %bitcast_convert_type3A_426 = tpu.bitcast %add3A_425 : vector<1024x128xi32> -> vector<1024x128xf32>
    %slice3A_427 = vector.extract_strided_slice %and3A_21 {offsets = [0, 7424], sizes = [1024, 128], strides = [1, 1]} : vector<1024x8192xi32> to vector<1024x128xi32>
    %slice3A_428 = vector.extract_strided_slice %add3A_24 {offsets = [0, 7424], sizes = [1, 128], strides = [1, 1]} : vector<1x8192xi32> to vector<1x128xi32>
    %add3A_429 = vector.broadcast %slice3A_428 : vector<1x128xi32> to vector<1024x128xi32>
    %add3A_430 = arith.addi %slice3A_427, %add3A_429 : vector<1024x128xi32>
    %bitcast_convert_type3A_431 = tpu.bitcast %add3A_430 : vector<1024x128xi32> -> vector<1024x128xf32>
    %slice3A_432 = vector.extract_strided_slice %and3A_21 {offsets = [0, 7552], sizes = [1024, 128], strides = [1, 1]} : vector<1024x8192xi32> to vector<1024x128xi32>
    %slice3A_433 = vector.extract_strided_slice %add3A_24 {offsets = [0, 7552], sizes = [1, 128], strides = [1, 1]} : vector<1x8192xi32> to vector<1x128xi32>
    %add3A_434 = vector.broadcast %slice3A_433 : vector<1x128xi32> to vector<1024x128xi32>
    %add3A_435 = arith.addi %slice3A_432, %add3A_434 : vector<1024x128xi32>
    %bitcast_convert_type3A_436 = tpu.bitcast %add3A_435 : vector<1024x128xi32> -> vector<1024x128xf32>
    %min3A_437 = arith.minimumf %bitcast_convert_type3A_421, %bitcast_convert_type3A_426 : vector<1024x128xf32>
    %min3A_438 = arith.minimumf %bitcast_convert_type3A_431, %bitcast_convert_type3A_436 : vector<1024x128xf32>
    %min3A_439 = arith.minimumf %min3A_437, %min3A_438 : vector<1024x128xf32>
    %min3A_440 = arith.minimumf %min3A_412, %min3A_439 : vector<1024x128xf32>
    %max3A_441 = arith.maximumf %min3A_412, %min3A_439 : vector<1024x128xf32>
    %min3A_442 = arith.minimumf %min3A_414, %max3A_441 : vector<1024x128xf32>
    %max3A_443 = arith.maximumf %min3A_414, %max3A_441 : vector<1024x128xf32>
    %min3A_444 = arith.minimumf %min3A_416, %max3A_443 : vector<1024x128xf32>
    %slice3A_445 = vector.extract_strided_slice %and3A_21 {offsets = [0, 7680], sizes = [1024, 128], strides = [1, 1]} : vector<1024x8192xi32> to vector<1024x128xi32>
    %slice3A_446 = vector.extract_strided_slice %add3A_24 {offsets = [0, 7680], sizes = [1, 128], strides = [1, 1]} : vector<1x8192xi32> to vector<1x128xi32>
    %add3A_447 = vector.broadcast %slice3A_446 : vector<1x128xi32> to vector<1024x128xi32>
    %add3A_448 = arith.addi %slice3A_445, %add3A_447 : vector<1024x128xi32>
    %bitcast_convert_type3A_449 = tpu.bitcast %add3A_448 : vector<1024x128xi32> -> vector<1024x128xf32>
    %slice3A_450 = vector.extract_strided_slice %and3A_21 {offsets = [0, 7808], sizes = [1024, 128], strides = [1, 1]} : vector<1024x8192xi32> to vector<1024x128xi32>
    %slice3A_451 = vector.extract_strided_slice %add3A_24 {offsets = [0, 7808], sizes = [1, 128], strides = [1, 1]} : vector<1x8192xi32> to vector<1x128xi32>
    %add3A_452 = vector.broadcast %slice3A_451 : vector<1x128xi32> to vector<1024x128xi32>
    %add3A_453 = arith.addi %slice3A_450, %add3A_452 : vector<1024x128xi32>
    %bitcast_convert_type3A_454 = tpu.bitcast %add3A_453 : vector<1024x128xi32> -> vector<1024x128xf32>
    %slice3A_455 = vector.extract_strided_slice %and3A_21 {offsets = [0, 7936], sizes = [1024, 128], strides = [1, 1]} : vector<1024x8192xi32> to vector<1024x128xi32>
    %slice3A_456 = vector.extract_strided_slice %add3A_24 {offsets = [0, 7936], sizes = [1, 128], strides = [1, 1]} : vector<1x8192xi32> to vector<1x128xi32>
    %add3A_457 = vector.broadcast %slice3A_456 : vector<1x128xi32> to vector<1024x128xi32>
    %add3A_458 = arith.addi %slice3A_455, %add3A_457 : vector<1024x128xi32>
    %bitcast_convert_type3A_459 = tpu.bitcast %add3A_458 : vector<1024x128xi32> -> vector<1024x128xf32>
    %slice3A_460 = vector.extract_strided_slice %and3A_21 {offsets = [0, 8064], sizes = [1024, 128], strides = [1, 1]} : vector<1024x8192xi32> to vector<1024x128xi32>
    %slice3A_461 = vector.extract_strided_slice %add3A_24 {offsets = [0, 8064], sizes = [1, 128], strides = [1, 1]} : vector<1x8192xi32> to vector<1x128xi32>
    %add3A_462 = vector.broadcast %slice3A_461 : vector<1x128xi32> to vector<1024x128xi32>
    %add3A_463 = arith.addi %slice3A_460, %add3A_462 : vector<1024x128xi32>
    %bitcast_convert_type3A_464 = tpu.bitcast %add3A_463 : vector<1024x128xi32> -> vector<1024x128xf32>
    %min3A_465 = arith.minimumf %bitcast_convert_type3A_449, %bitcast_convert_type3A_454 : vector<1024x128xf32>
    %min3A_466 = arith.minimumf %bitcast_convert_type3A_459, %bitcast_convert_type3A_464 : vector<1024x128xf32>
    %min3A_467 = arith.minimumf %min3A_465, %min3A_466 : vector<1024x128xf32>
    %min3A_468 = arith.minimumf %min3A_440, %min3A_467 : vector<1024x128xf32>
    %max3A_469 = arith.maximumf %min3A_440, %min3A_467 : vector<1024x128xf32>
    %min3A_470 = arith.minimumf %min3A_442, %max3A_469 : vector<1024x128xf32>
    %max3A_471 = arith.maximumf %min3A_442, %max3A_469 : vector<1024x128xf32>
    %min3A_472 = arith.minimumf %min3A_444, %max3A_471 : vector<1024x128xf32>
    %reduce_min3A = arith.constant dense<0x7F800000> : vector<1024xf32>
    %reduce_min3A_473 = vector.multi_reduction <minimumf>, %min3A_468, %reduce_min3A [1] : vector<1024x128xf32> to vector<1024xf32>
    %broadcast_in_dim3A_474 = vector.shape_cast %reduce_min3A_473 : vector<1024xf32> to vector<1024x1xf32>
    %eq3A = vector.broadcast %broadcast_in_dim3A_474 : vector<1024x1xf32> to vector<1024x128xf32>
    %eq3A_475 = arith.cmpf oeq, %min3A_468, %eq3A : vector<1024x128xf32>
    %select_n3A = arith.select %eq3A_475, %min3A_470, %min3A_468 : vector<1024x128xi1>, vector<1024x128xf32>
    %select_n3A_476 = arith.select %eq3A_475, %min3A_472, %min3A_470 : vector<1024x128xi1>, vector<1024x128xf32>
    %jit3A = arith.constant 0x7F800000 : f32
    %broadcast_in_dim3A_477 = vector.broadcast %jit3A : f32 to vector<1024x128xf32>
    %select_n3A_478 = arith.select %eq3A_475, %broadcast_in_dim3A_477, %min3A_472 : vector<1024x128xi1>, vector<1024x128xf32>
    %reduce_min3A_479 = arith.constant dense<0x7F800000> : vector<1024xf32>
    %reduce_min3A_480 = vector.multi_reduction <minimumf>, %select_n3A, %reduce_min3A_479 [1] : vector<1024x128xf32> to vector<1024xf32>
    %broadcast_in_dim3A_481 = vector.shape_cast %reduce_min3A_480 : vector<1024xf32> to vector<1024x1xf32>
    %bitcast_convert_type3A_482 = tpu.bitcast %broadcast_in_dim3A_481 : vector<1024x1xf32> -> vector<1024x1xi32>
    %sub3A = arith.constant 8388608 : i32
    %sub3A_483 = vector.broadcast %sub3A : i32 to vector<1024x1xi32>
    %sub3A_484 = arith.subi %bitcast_convert_type3A_482, %sub3A_483 : vector<1024x1xi32>
    %and3A_485 = arith.constant 8191 : i32
    %and3A_486 = vector.broadcast %and3A_485 : i32 to vector<1024x1xi32>
    %and3A_487 = arith.andi %sub3A_484, %and3A_486 : vector<1024x1xi32>
    %not3A_488 = arith.constant 8191 : i32
    %not3A_489 = arith.constant -1 : i32
    %not3A_490 = arith.xori %not3A_488, %not3A_489 : i32
    %and3A_491 = vector.broadcast %not3A_490 : i32 to vector<1024x1xi32>
    %and3A_492 = arith.andi %sub3A_484, %and3A_491 : vector<1024x1xi32>
    %or3A = arith.constant 4096 : i32
    %or3A_493 = vector.broadcast %or3A : i32 to vector<1024x1xi32>
    %or3A_494 = arith.ori %and3A_492, %or3A_493 : vector<1024x1xi32>
    %bitcast_convert_type3A_495 = tpu.bitcast %or3A_494 : vector<1024x1xi32> -> vector<1024x1xf32>
    %eq3A_496 = vector.broadcast %broadcast_in_dim3A_481 : vector<1024x1xf32> to vector<1024x128xf32>
    %eq3A_497 = arith.cmpf oeq, %select_n3A, %eq3A_496 : vector<1024x128xf32>
    %select_n3A_498 = arith.select %eq3A_497, %select_n3A_476, %select_n3A : vector<1024x128xi1>, vector<1024x128xf32>
    %select_n3A_499 = arith.select %eq3A_497, %select_n3A_478, %select_n3A_476 : vector<1024x128xi1>, vector<1024x128xf32>
    %jit3A_500 = arith.constant 0x7F800000 : f32
    %broadcast_in_dim3A_501 = vector.broadcast %jit3A_500 : f32 to vector<1024x128xf32>
    %select_n3A_502 = arith.select %eq3A_497, %broadcast_in_dim3A_501, %select_n3A_478 : vector<1024x128xi1>, vector<1024x128xf32>
    %reduce_min3A_503 = arith.constant dense<0x7F800000> : vector<1024xf32>
    %reduce_min3A_504 = vector.multi_reduction <minimumf>, %select_n3A_498, %reduce_min3A_503 [1] : vector<1024x128xf32> to vector<1024xf32>
    %broadcast_in_dim3A_505 = vector.shape_cast %reduce_min3A_504 : vector<1024xf32> to vector<1024x1xf32>
    %bitcast_convert_type3A_506 = tpu.bitcast %broadcast_in_dim3A_505 : vector<1024x1xf32> -> vector<1024x1xi32>
    %sub3A_507 = arith.constant 8388608 : i32
    %sub3A_508 = vector.broadcast %sub3A_507 : i32 to vector<1024x1xi32>
    %sub3A_509 = arith.subi %bitcast_convert_type3A_506, %sub3A_508 : vector<1024x1xi32>
    %and3A_510 = arith.constant 8191 : i32
    %and3A_511 = vector.broadcast %and3A_510 : i32 to vector<1024x1xi32>
    %and3A_512 = arith.andi %sub3A_509, %and3A_511 : vector<1024x1xi32>
    %not3A_513 = arith.constant 8191 : i32
    %not3A_514 = arith.constant -1 : i32
    %not3A_515 = arith.xori %not3A_513, %not3A_514 : i32
    %and3A_516 = vector.broadcast %not3A_515 : i32 to vector<1024x1xi32>
    %and3A_517 = arith.andi %sub3A_509, %and3A_516 : vector<1024x1xi32>
    %or3A_518 = arith.constant 4096 : i32
    %or3A_519 = vector.broadcast %or3A_518 : i32 to vector<1024x1xi32>
    %or3A_520 = arith.ori %and3A_517, %or3A_519 : vector<1024x1xi32>
    %bitcast_convert_type3A_521 = tpu.bitcast %or3A_520 : vector<1024x1xi32> -> vector<1024x1xf32>
    %eq3A_522 = vector.broadcast %broadcast_in_dim3A_505 : vector<1024x1xf32> to vector<1024x128xf32>
    %eq3A_523 = arith.cmpf oeq, %select_n3A_498, %eq3A_522 : vector<1024x128xf32>
    %select_n3A_524 = arith.select %eq3A_523, %select_n3A_499, %select_n3A_498 : vector<1024x128xi1>, vector<1024x128xf32>
    %select_n3A_525 = arith.select %eq3A_523, %select_n3A_502, %select_n3A_499 : vector<1024x128xi1>, vector<1024x128xf32>
    %jit3A_526 = arith.constant 0x7F800000 : f32
    %broadcast_in_dim3A_527 = vector.broadcast %jit3A_526 : f32 to vector<1024x128xf32>
    %select_n3A_528 = arith.select %eq3A_523, %broadcast_in_dim3A_527, %select_n3A_502 : vector<1024x128xi1>, vector<1024x128xf32>
    %reduce_min3A_529 = arith.constant dense<0x7F800000> : vector<1024xf32>
    %reduce_min3A_530 = vector.multi_reduction <minimumf>, %select_n3A_524, %reduce_min3A_529 [1] : vector<1024x128xf32> to vector<1024xf32>
    %broadcast_in_dim3A_531 = vector.shape_cast %reduce_min3A_530 : vector<1024xf32> to vector<1024x1xf32>
    %bitcast_convert_type3A_532 = tpu.bitcast %broadcast_in_dim3A_531 : vector<1024x1xf32> -> vector<1024x1xi32>
    %sub3A_533 = arith.constant 8388608 : i32
    %sub3A_534 = vector.broadcast %sub3A_533 : i32 to vector<1024x1xi32>
    %sub3A_535 = arith.subi %bitcast_convert_type3A_532, %sub3A_534 : vector<1024x1xi32>
    %and3A_536 = arith.constant 8191 : i32
    %and3A_537 = vector.broadcast %and3A_536 : i32 to vector<1024x1xi32>
    %and3A_538 = arith.andi %sub3A_535, %and3A_537 : vector<1024x1xi32>
    %not3A_539 = arith.constant 8191 : i32
    %not3A_540 = arith.constant -1 : i32
    %not3A_541 = arith.xori %not3A_539, %not3A_540 : i32
    %and3A_542 = vector.broadcast %not3A_541 : i32 to vector<1024x1xi32>
    %and3A_543 = arith.andi %sub3A_535, %and3A_542 : vector<1024x1xi32>
    %or3A_544 = arith.constant 4096 : i32
    %or3A_545 = vector.broadcast %or3A_544 : i32 to vector<1024x1xi32>
    %or3A_546 = arith.ori %and3A_543, %or3A_545 : vector<1024x1xi32>
    %bitcast_convert_type3A_547 = tpu.bitcast %or3A_546 : vector<1024x1xi32> -> vector<1024x1xf32>
    %eq3A_548 = vector.broadcast %broadcast_in_dim3A_531 : vector<1024x1xf32> to vector<1024x128xf32>
    %eq3A_549 = arith.cmpf oeq, %select_n3A_524, %eq3A_548 : vector<1024x128xf32>
    %select_n3A_550 = arith.select %eq3A_549, %select_n3A_525, %select_n3A_524 : vector<1024x128xi1>, vector<1024x128xf32>
    %select_n3A_551 = arith.select %eq3A_549, %select_n3A_528, %select_n3A_525 : vector<1024x128xi1>, vector<1024x128xf32>
    %jit3A_552 = arith.constant 0x7F800000 : f32
    %broadcast_in_dim3A_553 = vector.broadcast %jit3A_552 : f32 to vector<1024x128xf32>
    %select_n3A_554 = arith.select %eq3A_549, %broadcast_in_dim3A_553, %select_n3A_528 : vector<1024x128xi1>, vector<1024x128xf32>
    %reduce_min3A_555 = arith.constant dense<0x7F800000> : vector<1024xf32>
    %reduce_min3A_556 = vector.multi_reduction <minimumf>, %select_n3A_550, %reduce_min3A_555 [1] : vector<1024x128xf32> to vector<1024xf32>
    %broadcast_in_dim3A_557 = vector.shape_cast %reduce_min3A_556 : vector<1024xf32> to vector<1024x1xf32>
    %bitcast_convert_type3A_558 = tpu.bitcast %broadcast_in_dim3A_557 : vector<1024x1xf32> -> vector<1024x1xi32>
    %sub3A_559 = arith.constant 8388608 : i32
    %sub3A_560 = vector.broadcast %sub3A_559 : i32 to vector<1024x1xi32>
    %sub3A_561 = arith.subi %bitcast_convert_type3A_558, %sub3A_560 : vector<1024x1xi32>
    %and3A_562 = arith.constant 8191 : i32
    %and3A_563 = vector.broadcast %and3A_562 : i32 to vector<1024x1xi32>
    %and3A_564 = arith.andi %sub3A_561, %and3A_563 : vector<1024x1xi32>
    %not3A_565 = arith.constant 8191 : i32
    %not3A_566 = arith.constant -1 : i32
    %not3A_567 = arith.xori %not3A_565, %not3A_566 : i32
    %and3A_568 = vector.broadcast %not3A_567 : i32 to vector<1024x1xi32>
    %and3A_569 = arith.andi %sub3A_561, %and3A_568 : vector<1024x1xi32>
    %or3A_570 = arith.constant 4096 : i32
    %or3A_571 = vector.broadcast %or3A_570 : i32 to vector<1024x1xi32>
    %or3A_572 = arith.ori %and3A_569, %or3A_571 : vector<1024x1xi32>
    %bitcast_convert_type3A_573 = tpu.bitcast %or3A_572 : vector<1024x1xi32> -> vector<1024x1xf32>
    %eq3A_574 = vector.broadcast %broadcast_in_dim3A_557 : vector<1024x1xf32> to vector<1024x128xf32>
    %eq3A_575 = arith.cmpf oeq, %select_n3A_550, %eq3A_574 : vector<1024x128xf32>
    %select_n3A_576 = arith.select %eq3A_575, %select_n3A_551, %select_n3A_550 : vector<1024x128xi1>, vector<1024x128xf32>
    %select_n3A_577 = arith.select %eq3A_575, %select_n3A_554, %select_n3A_551 : vector<1024x128xi1>, vector<1024x128xf32>
    %jit3A_578 = arith.constant 0x7F800000 : f32
    %broadcast_in_dim3A_579 = vector.broadcast %jit3A_578 : f32 to vector<1024x128xf32>
    %select_n3A_580 = arith.select %eq3A_575, %broadcast_in_dim3A_579, %select_n3A_554 : vector<1024x128xi1>, vector<1024x128xf32>
    %reduce_min3A_581 = arith.constant dense<0x7F800000> : vector<1024xf32>
    %reduce_min3A_582 = vector.multi_reduction <minimumf>, %select_n3A_576, %reduce_min3A_581 [1] : vector<1024x128xf32> to vector<1024xf32>
    %broadcast_in_dim3A_583 = vector.shape_cast %reduce_min3A_582 : vector<1024xf32> to vector<1024x1xf32>
    %bitcast_convert_type3A_584 = tpu.bitcast %broadcast_in_dim3A_583 : vector<1024x1xf32> -> vector<1024x1xi32>
    %sub3A_585 = arith.constant 8388608 : i32
    %sub3A_586 = vector.broadcast %sub3A_585 : i32 to vector<1024x1xi32>
    %sub3A_587 = arith.subi %bitcast_convert_type3A_584, %sub3A_586 : vector<1024x1xi32>
    %and3A_588 = arith.constant 8191 : i32
    %and3A_589 = vector.broadcast %and3A_588 : i32 to vector<1024x1xi32>
    %and3A_590 = arith.andi %sub3A_587, %and3A_589 : vector<1024x1xi32>
    %not3A_591 = arith.constant 8191 : i32
    %not3A_592 = arith.constant -1 : i32
    %not3A_593 = arith.xori %not3A_591, %not3A_592 : i32
    %and3A_594 = vector.broadcast %not3A_593 : i32 to vector<1024x1xi32>
    %and3A_595 = arith.andi %sub3A_587, %and3A_594 : vector<1024x1xi32>
    %or3A_596 = arith.constant 4096 : i32
    %or3A_597 = vector.broadcast %or3A_596 : i32 to vector<1024x1xi32>
    %or3A_598 = arith.ori %and3A_595, %or3A_597 : vector<1024x1xi32>
    %bitcast_convert_type3A_599 = tpu.bitcast %or3A_598 : vector<1024x1xi32> -> vector<1024x1xf32>
    %eq3A_600 = vector.broadcast %broadcast_in_dim3A_583 : vector<1024x1xf32> to vector<1024x128xf32>
    %eq3A_601 = arith.cmpf oeq, %select_n3A_576, %eq3A_600 : vector<1024x128xf32>
    %select_n3A_602 = arith.select %eq3A_601, %select_n3A_577, %select_n3A_576 : vector<1024x128xi1>, vector<1024x128xf32>
    %select_n3A_603 = arith.select %eq3A_601, %select_n3A_580, %select_n3A_577 : vector<1024x128xi1>, vector<1024x128xf32>
    %jit3A_604 = arith.constant 0x7F800000 : f32
    %broadcast_in_dim3A_605 = vector.broadcast %jit3A_604 : f32 to vector<1024x128xf32>
    %select_n3A_606 = arith.select %eq3A_601, %broadcast_in_dim3A_605, %select_n3A_580 : vector<1024x128xi1>, vector<1024x128xf32>
    %reduce_min3A_607 = arith.constant dense<0x7F800000> : vector<1024xf32>
    %reduce_min3A_608 = vector.multi_reduction <minimumf>, %select_n3A_602, %reduce_min3A_607 [1] : vector<1024x128xf32> to vector<1024xf32>
    %broadcast_in_dim3A_609 = vector.shape_cast %reduce_min3A_608 : vector<1024xf32> to vector<1024x1xf32>
    %bitcast_convert_type3A_610 = tpu.bitcast %broadcast_in_dim3A_609 : vector<1024x1xf32> -> vector<1024x1xi32>
    %sub3A_611 = arith.constant 8388608 : i32
    %sub3A_612 = vector.broadcast %sub3A_611 : i32 to vector<1024x1xi32>
    %sub3A_613 = arith.subi %bitcast_convert_type3A_610, %sub3A_612 : vector<1024x1xi32>
    %and3A_614 = arith.constant 8191 : i32
    %and3A_615 = vector.broadcast %and3A_614 : i32 to vector<1024x1xi32>
    %and3A_616 = arith.andi %sub3A_613, %and3A_615 : vector<1024x1xi32>
    %not3A_617 = arith.constant 8191 : i32
    %not3A_618 = arith.constant -1 : i32
    %not3A_619 = arith.xori %not3A_617, %not3A_618 : i32
    %and3A_620 = vector.broadcast %not3A_619 : i32 to vector<1024x1xi32>
    %and3A_621 = arith.andi %sub3A_613, %and3A_620 : vector<1024x1xi32>
    %or3A_622 = arith.constant 4096 : i32
    %or3A_623 = vector.broadcast %or3A_622 : i32 to vector<1024x1xi32>
    %or3A_624 = arith.ori %and3A_621, %or3A_623 : vector<1024x1xi32>
    %bitcast_convert_type3A_625 = tpu.bitcast %or3A_624 : vector<1024x1xi32> -> vector<1024x1xf32>
    %eq3A_626 = vector.broadcast %broadcast_in_dim3A_609 : vector<1024x1xf32> to vector<1024x128xf32>
    %eq3A_627 = arith.cmpf oeq, %select_n3A_602, %eq3A_626 : vector<1024x128xf32>
    %select_n3A_628 = arith.select %eq3A_627, %select_n3A_603, %select_n3A_602 : vector<1024x128xi1>, vector<1024x128xf32>
    %select_n3A_629 = arith.select %eq3A_627, %select_n3A_606, %select_n3A_603 : vector<1024x128xi1>, vector<1024x128xf32>
    %reduce_min3A_630 = arith.constant dense<0x7F800000> : vector<1024xf32>
    %reduce_min3A_631 = vector.multi_reduction <minimumf>, %select_n3A_628, %reduce_min3A_630 [1] : vector<1024x128xf32> to vector<1024xf32>
    %broadcast_in_dim3A_632 = vector.shape_cast %reduce_min3A_631 : vector<1024xf32> to vector<1024x1xf32>
    %bitcast_convert_type3A_633 = tpu.bitcast %broadcast_in_dim3A_632 : vector<1024x1xf32> -> vector<1024x1xi32>
    %sub3A_634 = arith.constant 8388608 : i32
    %sub3A_635 = vector.broadcast %sub3A_634 : i32 to vector<1024x1xi32>
    %sub3A_636 = arith.subi %bitcast_convert_type3A_633, %sub3A_635 : vector<1024x1xi32>
    %and3A_637 = arith.constant 8191 : i32
    %and3A_638 = vector.broadcast %and3A_637 : i32 to vector<1024x1xi32>
    %and3A_639 = arith.andi %sub3A_636, %and3A_638 : vector<1024x1xi32>
    %not3A_640 = arith.constant 8191 : i32
    %not3A_641 = arith.constant -1 : i32
    %not3A_642 = arith.xori %not3A_640, %not3A_641 : i32
    %and3A_643 = vector.broadcast %not3A_642 : i32 to vector<1024x1xi32>
    %and3A_644 = arith.andi %sub3A_636, %and3A_643 : vector<1024x1xi32>
    %or3A_645 = arith.constant 4096 : i32
    %or3A_646 = vector.broadcast %or3A_645 : i32 to vector<1024x1xi32>
    %or3A_647 = arith.ori %and3A_644, %or3A_646 : vector<1024x1xi32>
    %bitcast_convert_type3A_648 = tpu.bitcast %or3A_647 : vector<1024x1xi32> -> vector<1024x1xf32>
    %eq3A_649 = vector.broadcast %broadcast_in_dim3A_632 : vector<1024x1xf32> to vector<1024x128xf32>
    %eq3A_650 = arith.cmpf oeq, %select_n3A_628, %eq3A_649 : vector<1024x128xf32>
    %select_n3A_651 = arith.select %eq3A_650, %select_n3A_629, %select_n3A_628 : vector<1024x128xi1>, vector<1024x128xf32>
    %reduce_min3A_652 = arith.constant dense<0x7F800000> : vector<1024xf32>
    %reduce_min3A_653 = vector.multi_reduction <minimumf>, %select_n3A_651, %reduce_min3A_652 [1] : vector<1024x128xf32> to vector<1024xf32>
    %broadcast_in_dim3A_654 = vector.shape_cast %reduce_min3A_653 : vector<1024xf32> to vector<1024x1xf32>
    %bitcast_convert_type3A_655 = tpu.bitcast %broadcast_in_dim3A_654 : vector<1024x1xf32> -> vector<1024x1xi32>
    %sub3A_656 = arith.constant 8388608 : i32
    %sub3A_657 = vector.broadcast %sub3A_656 : i32 to vector<1024x1xi32>
    %sub3A_658 = arith.subi %bitcast_convert_type3A_655, %sub3A_657 : vector<1024x1xi32>
    %and3A_659 = arith.constant 8191 : i32
    %and3A_660 = vector.broadcast %and3A_659 : i32 to vector<1024x1xi32>
    %and3A_661 = arith.andi %sub3A_658, %and3A_660 : vector<1024x1xi32>
    %not3A_662 = arith.constant 8191 : i32
    %not3A_663 = arith.constant -1 : i32
    %not3A_664 = arith.xori %not3A_662, %not3A_663 : i32
    %and3A_665 = vector.broadcast %not3A_664 : i32 to vector<1024x1xi32>
    %and3A_666 = arith.andi %sub3A_658, %and3A_665 : vector<1024x1xi32>
    %or3A_667 = arith.constant 4096 : i32
    %or3A_668 = vector.broadcast %or3A_667 : i32 to vector<1024x1xi32>
    %or3A_669 = arith.ori %and3A_666, %or3A_668 : vector<1024x1xi32>
    %bitcast_convert_type3A_670 = tpu.bitcast %or3A_669 : vector<1024x1xi32> -> vector<1024x1xf32>
    %concatenate3A = tpu.concatenate %and3A_487, %and3A_512, %and3A_538, %and3A_564, %and3A_590, %and3A_616, %and3A_639, %and3A_661 in 1 : vector<1024x1xi32>, vector<1024x1xi32>, vector<1024x1xi32>, vector<1024x1xi32>, vector<1024x1xi32>, vector<1024x1xi32>, vector<1024x1xi32>, vector<1024x1xi32> -> vector<1024x8xi32>
    %swap3A = arith.constant 0 : index
    %swap3A_671 = arith.constant 0 : index
    %swap3A_672 = vector.load %arg3[%swap3A, %swap3A_671] : memref<1024x8xi32, #tpu.memory_space<vmem>>, vector<1024x8xi32>
    tpu.vector_store %arg3[%swap3A, %swap3A_671], %concatenate3A {strides = array<i32>} : memref<1024x8xi32, #tpu.memory_space<vmem>>, vector<1024x8xi32>,
    %concatenate3A_673 = tpu.concatenate %bitcast_convert_type3A_495, %bitcast_convert_type3A_521, %bitcast_convert_type3A_547, %bitcast_convert_type3A_573, %bitcast_convert_type3A_599, %bitcast_convert_type3A_625, %bitcast_convert_type3A_648, %bitcast_convert_type3A_670 in 1 : vector<1024x1xf32>, vector<1024x1xf32>, vector<1024x1xf32>, vector<1024x1xf32>, vector<1024x1xf32>, vector<1024x1xf32>, vector<1024x1xf32>, vector<1024x1xf32> -> vector<1024x8xf32>
    %swap3A_674 = arith.constant 0 : index
    %swap3A_675 = arith.constant 0 : index
    %swap3A_676 = vector.load %arg4[%swap3A_674, %swap3A_675] : memref<1024x8xf32, #tpu.memory_space<vmem>>, vector<1024x8xf32>
    tpu.vector_store %arg4[%swap3A_674, %swap3A_675], %concatenate3A_673 {strides = array<i32>} : memref<1024x8xf32, #tpu.memory_space<vmem>>, vector<1024x8xf32>,
    return
  }
  func.func @transform_0(%arg0: i32) -> (i32, i32) {
    %c0_i32 = arith.constant 0 : i32
    %c0_i32_0 = arith.constant 0 : i32
    return %arg0, %c0_i32 : i32, i32
  }
  func.func @transform_1(%arg0: i32) -> (i32, i32) {
    %c0_i32 = arith.constant 0 : i32
    %c0_i32_0 = arith.constant 0 : i32
    %c0_i32_1 = arith.constant 0 : i32
    return %c0_i32, %c0_i32_0 : i32, i32
  }
  func.func @transform_2(%arg0: i32) -> (i32, i32) {
    %c0_i32 = arith.constant 0 : i32
    %c0_i32_0 = arith.constant 0 : i32
    return %arg0, %c0_i32 : i32, i32
  }
  func.func @transform_3(%arg0: i32) -> (i32, i32) {
    %c0_i32 = arith.constant 0 : i32
    %c0_i32_0 = arith.constant 0 : i32
    return %arg0, %c0_i32 : i32, i32
  }
}

</mosaic_0001>

<sc_bundles>
// kernel: kernel.4.cloned.1.call-start
scs
__scs_entry_jumppad:
0x0: {  	(pc) =	sbr.rel $0x88, $3  }
0x1: {  	(tag) =	ssettag $0x0;
	lr =	simm.s32 $0x1  }
0x2: {  	[smem:$0x3F9E] =	sst lr;
	_ =	strace $0xD0000000  }
0x3: {  	_ = 	snop  }
0x4: {  	_ = 	snop  }
0x5: {  	_ = 	snop  }
0x6: {  	_ = 	snop  }
0x7: {  	_ = 	snop  }
__scs_overlays_trampoline_lowered:
0x8: {  	[smem:$0x3FAD] =	sst s0  }
0x9: {  	[smem:$0x3FAE] =	sst s1  }
0xa: {  	[smem:$0x3FAF] =	sst s2  }
0xb: {  	[smem:$0x3FB0] =	sst s3  }
0xc: {  	[smem:$0x3FB1] =	sst s4  }
0xd: {  	[smem:$0x3FB2] =	sst s5  }
0xe: {  	[smem:$0x3FB3] =	sst s6  }
0xf: {  	[smem:$0x3FB4] =	sst s7  }
0x10: {  	[smem:$0x3FB5] =	sst s8  }
0x11: {  	[smem:$0x3FB6] =	sst s9;
	s0 =	simm.s32 @!p0 $0x0  }
0x12: {  	s1 =	sld [smem:$0x3F9C];
	s0 =	simm.s32 @p0 $0x1  }
0x13: {  	[smem:$0x3FB7] =	sst s0;
	s0 =	simm.s32 @!p1 $0x0  }
0x14: {  	s2 =	sld [smem:$0x3F9B];
	s0 =	simm.s32 @p1 $0x1  }
0x15: {  	[smem:$0x3FB8] =	sst s0;
	s0 =	simm.s32 @!p2 $0x0  }
0x16: {  	s3 =	sld [smem:$0x3FDB];
	s0 =	simm.s32 @p2 $0x1  }
0x17: {  	s4 =	simm.s32 $0x1BF5;
	[smem:$0x3FBA] =	sst s0  }
0x18: {  	s0 =	sld [smem:$0x3F9D];
	_ =	swait.ge [sflag:s4], $0x0  }
0x19: {  	s7 =	sld [smem:$0x3F9E]  }
0x1a: {  	s8 =	sadd.s32 $0xFFFFE003, lr  }
0x1b: {  	s9 =	sadd.s32 $0xFFFFFEF7, lr;
	s5 =	simm.s32 $0xFFFFFFFF;
	p2 =	slt.u32 s8, $0xFFFFF086  }
0x1c: {  	p1 =	slt.u32 s9, $0xF7A;
	s5 =	simm.s32 @!p2 $0x0  }
0x1d: {  	s5 =	simm.s32 @p1 $0x1;
	p0 =	seq.s32 s7, s2  }
0x1e: {  	s7 =	smul.u32 @!p0 $0xF7A, s2;
	p2 =	seq.s32 @!p0 s5, $0x0  }
0x1f: {  	s9 =	smul.u32 $0xF7A, s1;
	s8 =	simm.s32 @!p0 $0x1BF5;
	p2 =	por !p2, p0  }
0x20: {  	[sflag:s8] =	ssyncset.s32 @!p0 $0xFFFFF086;
	s6 =	sadd.s32 @!p0 s3, s7;
	s7 =	simm.s32 @!p0 $0x108  }
0x21: {  	s3 =	sadd.s32 s3, s9;
	s6 =	sadd.s32 @!p0 $0x88, s6;
	s7 =	simm.s32 @p2 $0x1082  }
0x22: {  	[simem:s7], [sflag:s8] =	dma.local @!p0 [hbm:s6], $0xF7A  }
0x23: {  	s9 =	sor.u32 $0xD0000000, s2;
	s6 =	simm.s32 $0x108;
	_ =	swait.ge @!p0 [sflag:s8], $0x0  }
0x24: {  	s3 =	sadd.s32 $0x88, s3;
	s6 =	simm.s32 @!p1 $0x1082;
	[sflag:s4] =	ssyncset.s32 $0xFFFFF086  }
0x25: {  	[simem:s6], [sflag:s4] =	dma.local [hbm:s3], $0xF7A  }
0x26: {  	[smem:$0x3F9E] =	sst s1;
	(tag) =	ssettag s2;
	_ =	strace s9  }
0x27: {  	s1 =	sld [smem:$0x3FAE]  }
0x28: {  	s2 =	sld [smem:$0x3FAF]  }
0x29: {  	s4 =	sld [smem:$0x3FB1]  }
0x2a: {  	p0 =	seq.s32 s5, $0x0;
	s5 =	sld [smem:$0x3FB2]  }
0x2b: {  	s6 =	sld [smem:$0x3FB3]  }
0x2c: {  	s7 =	sld [smem:$0x3FB4]  }
0x2d: {  	s3 =	simm.s32 $0x108;
	s8 =	sld [smem:$0x3FB5]  }
0x2e: {  	s3 =	simm.s32 @!p0 $0x1082;
	s9 =	sld [smem:$0x3FB6]  }
0x2f: {  	lr =	sadd.s32 s0, s3;
	s0 =	sld [smem:$0x3FAD]  }
0x30: {  	s3 =	sld [smem:$0x3FB0]  }
0x31: {  	[smem:$0x3FB9] =	sst s10  }
0x32: {  	s10 =	sld [smem:$0x3FB7];
	_ =	sdelay $0x3  }
0x33: {  	p0 =	seq.s32 s10, $0x1;
	s10 =	sld [smem:$0x3FB9];
	_ =	sdelay $0x3  }
0x34: {  	[smem:$0x3FB9] =	sst s10  }
0x35: {  	s10 =	sld [smem:$0x3FB8];
	_ =	sdelay $0x3  }
0x36: {  	p1 =	seq.s32 s10, $0x1;
	s10 =	sld [smem:$0x3FB9];
	_ =	sdelay $0x3  }
0x37: {  	[smem:$0x3FB9] =	sst s10  }
0x38: {  	s10 =	sld [smem:$0x3FBA]  }
0x39: {  	_ = 	snop;
	(pc) =	sbr.ind lr, $3  }
0x3a: {  	_ = 	snop  }
0x3b: {  	_ = 	snop  }
0x3c: {  	p2 =	seq.s32 s10, $0x1;
	s10 =	sld [smem:$0x3FB9]  }
0x3d: {  	_ =	shalt  }
0x3e: {  	_ =	shalt  }
0x3f: {  	_ =	shalt  }
0x40: {  	_ =	shalt  }
0x41: {  	_ =	shalt  }
0x42: {  	_ =	shalt  }
0x43: {  	_ =	shalt  }
0x44: {  	_ =	shalt  }
0x45: {  	_ =	shalt  }
0x46: {  	_ =	shalt  }
0x47: {  	_ =	shalt  }
0x48: {  	_ =	shalt  }
0x49: {  	_ =	shalt  }
0x4a: {  	_ =	shalt  }
0x4b: {  	_ =	shalt  }
0x4c: {  	_ =	shalt  }
0x4d: {  	_ =	shalt  }
0x4e: {  	_ =	shalt  }
0x4f: {  	_ =	shalt  }
0x50: {  	_ =	shalt  }
0x51: {  	_ =	shalt  }
0x52: {  	_ =	shalt  }
0x53: {  	_ =	shalt  }
0x54: {  	_ =	shalt  }
0x55: {  	_ =	shalt  }
0x56: {  	_ =	shalt  }
0x57: {  	_ =	shalt  }
0x58: {  	_ =	shalt  }
0x59: {  	_ =	shalt  }
0x5a: {  	_ =	shalt  }
0x5b: {  	_ =	shalt  }
0x5c: {  	_ =	shalt  }
0x5d: {  	_ =	shalt  }
0x5e: {  	_ =	shalt  }
0x5f: {  	_ =	shalt  }
0x60: {  	_ =	shalt  }
0x61: {  	_ =	shalt  }
0x62: {  	_ =	shalt  }
0x63: {  	_ =	shalt  }
0x64: {  	_ =	shalt  }
0x65: {  	_ =	shalt  }
0x66: {  	_ =	shalt  }
0x67: {  	_ =	shalt  }
0x68: {  	_ =	shalt  }
0x69: {  	_ =	shalt  }
0x6a: {  	_ =	shalt  }
0x6b: {  	_ =	shalt  }
0x6c: {  	_ =	shalt  }
0x6d: {  	_ =	shalt  }
0x6e: {  	_ =	shalt  }
0x6f: {  	_ =	shalt  }
0x70: {  	_ =	shalt  }
0x71: {  	_ =	shalt  }
0x72: {  	_ =	shalt  }
0x73: {  	_ =	shalt  }
0x74: {  	_ =	shalt  }
0x75: {  	_ =	shalt  }
0x76: {  	_ =	shalt  }
0x77: {  	_ =	shalt  }
0x78: {  	_ =	shalt  }
0x79: {  	_ =	shalt  }
0x7a: {  	_ =	shalt  }
0x7b: {  	_ =	shalt  }
0x7c: {  	_ =	shalt  }
0x7d: {  	_ =	shalt  }
0x7e: {  	_ =	shalt  }
0x7f: {  	_ =	shalt  }
0x80: {  	_ =	shalt  }
0x81: {  	_ =	shalt  }
0x82: {  	_ =	shalt  }
0x83: {  	_ =	shalt  }
0x84: {  	_ =	shalt  }
0x85: {  	_ =	shalt  }
0x86: {  	_ =	shalt  }
0x87: {  	_ =	shalt  }
.Lfunc_end0:
.L_simem_size_0:
called_computation_lowered:
.L_overlay_start_0:
0x88: {  	s2 =	sld [smem:$0x3FD9]  }
0x89: {  	s3 =	sld [smem:$0x3FFE];
	_ =	sdelay $0x1  }
0x8a: {  	s1 =	srdreg.scid  }
0x8b: {  	s0 =	sand.u32 $0x1, s1  }
0x8c: {  	s17 =	sshll.u32 s0, $0xA;
	s2 =	sadd.s32 s3, s2  }
0x8d: {  	s2 =	sadd.s32 s2, s17  }
0x8e: {  	[smem:$0x3FC5] =	sst s2  }
0x8f: {  	_ = 	snop  }
0x90: {  	s2 =	sld [smem:$0x3FC8];
	(tm) =	ssettm $0x1  }
0x91: {  	s18 =	sld [smem:$0x3FFB];
	_ =	sdelay $0x3  }
0x92: {  	_ =	strace s18  }
0x93: {  	s3 =	sld [smem:$0x3FFC];
	_ =	sdelay $0x3  }
0x94: {  	_ =	strace s3  }
0x95: {  	s3 =	sld [smem:$0x3FFD];
	_ =	sdelay $0x3  }
0x96: {  	_ =	strace s3  }
0x97: {  	_ =	strace $0x8FFFFFFF  }
0x98: {  	s19 =	sld [smem:$0x3FDB];
	_ =	sdelay $0x1  }
0x99: {  	s4 =	simm.s32 $_scs_section_size  }
0x9a: {  	s5 =	simm.s32 $_size__tile_overlayer_lowered;
	s6 =	simm.s32 $_tile_overlayer_lowered  }
0x9b: {  	s22 =	simm.s32 $0x1BFF;
	s21 =	sshll.u32 s6, $0x1;
	s3 =	sadd.s32 s4, s19  }
0x9c: {  	s7 =	simm.s32 $0x0;
	s20 =	sshll.u32 s5, $0x1;
	s5 =	sadd.s32 s21, s3  }
0x9d: {  	[timem:s7], [sflag:s22] =	dma.local [hbm:s5], s20  }
0x9e: {  	_ =	swait.ge [sflag:s22], s20  }
0x9f: {  	s4 =	ssub.s32 $0x0, s20;
	[sflag:s22] =	ssyncset.done $0x0  }
0xa0: {  	[sflag:s22] =	ssyncadd.s32 s4;
	_ =	sdelay $0x1  }
0xa1: {  	s23 =	simm.s32 $0x1B8B  }
0xa2: {  	_ =	swait.ge [sflag:s23], $0x1  }
0xa3: {  	[sflag:s23] =	ssyncset.done $0x0  }
0xa4: {  	s25 =	simm.s32 $0x1B8E;
	s24 =	sld [smem:$0x3FFE];
	[sflag:s23] =	ssyncadd.s32 $0xFFFFFFFF  }
0xa5: {  	s26 =	simm.s32 $execute0_lowered;
	[smem:$0x3FD2] =	sst s25  }
0xa6: {  	s5 =	sshll.u32 s26, $0x1;
	_ =	strace $0x80000046;
	[dreg:$0x1] =	wrdreg $0xFFFFFFFF  }
0xa7: {  	s28 =	simm.s32 $_size_execute0_lowered;
	s3 =	sadd.s32 s3, s5;
	[dreg:$0x0] =	wrdreg $0x0  }
0xa8: {  	s5 =	sshll.u32 s28, $0x1;
	[dreg:$0x2] =	wrdreg s3  }
0xa9: {  	[dreg:$0x3] =	wrdreg s5  }
0xaa: {  	[dreg:$0x4] =	wrdreg $0xC0  }
0xab: {  	_ =	task [dreg:s7], $0x5FFFF  }
0xac: {  	[dreg:$0x1] =	wrdreg $0xFFFFFFFF  }
0xad: {  	[dreg:$0x0] =	wrdreg $0x60  }
0xae: {  	[dreg:$0x2] =	wrdreg s2  }
0xaf: {  	[dreg:$0x3] =	wrdreg s24  }
0xb0: {  	[dreg:$0x4] =	wrdreg $0x9  }
0xb1: {  	_ =	task.clear_ibuf [dreg:s7], $0x5FFFF;
	_ =	strace $0x90000046  }
0xb2: {  	s29 =	simm.s32 $0x9;
	_ =	strace $0x80000048  }
0xb3: {  	_ =	swait.ge [sflag:s29], $0x1  }
0xb4: {  	[sflag:s29] =	ssyncadd.s32 $0xFFFFFFFF  }
0xb5: {  	_ =	strace $0x90000048  }
0xb6: {  	_ =	sfence  }
0xb7: {  	s30 =	sld [smem:$0x0];
	_ =	sdelay $0x2  }
0xb8: {  	s31 =	sshll.u32 s1, $0xD;
	s1 =	sshrl.u32 s1, $0x2  }
0xb9: {  	s3 =	sand.u32 $0x4000, s31;
	s1 =	sadd.s32 s1, s30  }
0xba: {  	s0 =	sor.u32 s3, s0;
	s1 =	sshll.u32 s1, $0x11  }
0xbb: {  	s0 =	sor.u32 s1, s0  }
0xbc: {  	s0 =	sadd.s32 $0x8F2B, s0  }
0xbd: {  	[sflag:s0] =	ssyncadd.remote.s32 $0x1  }
0xbe: {  	_ =	sfence.sel $0xFFFF  }
0xbf: {  	[dreg:$0x0] =	wrdreg $0xFFFFFFFF;
	(pc) =	sbr.abs _section_cstart, $3  }
0xc0: {  	[dreg:$0x1] =	wrdreg $0xFFFFFFFF  }
0xc1: {  	_ =	task.clear_ibuf [dreg:s7], $0x2FFFF;
	_ =	strace $0x9FFFFFFF  }
0xc2: {  	(tm) =	ssettm $0x7FFFFFFF  }
0xc3: {  	_ =	shalt  }
tec
execute0_lowered:
.L_overlay_start_1:
0x0: {  	(tag) =	ssettag $0x1  }
0x1: {  	s1 =	rddreg [dreg:$0x0]  }
0x2: {  	s7 =	rddreg [dreg:$0x1]  }
0x3: {  	s0 =	rddreg [dreg:$0x2];
	s3 =	simm.s32 $0x0;
	s5 =	srdreg.scid  }
0x4: {  	s2 =	stileid.u32;
	s13 =	simm.s32 $0x2000;
	s14 =	simm.s32 $0x4000  }
0x5: {  	s15 =	simm.s32 $0x6000;
	s16 =	simm.s32 $0x8000;
	s17 =	simm.s32 $0x8800  }
0x6: {  	s18 =	simm.s32 $0x9000;
	s19 =	simm.s32 $0x0;
	[smem:$0x7FF] =	sst s3  }
0x7: {  	s4 =	sadd.s32 $0x4800, s7;
	s11 =	sand.u32 $0x1, s5;
	s8 =	sshll.u32 s2, $0x1  }
0x8: {  	s5 =	sadd.s32 $0x4400, s7;
	s6 =	sadd.s32 $0x4000, s7;
	s31 =	sshll.u32 s2, $0xC  }
0x9: {  	_ =	strace $0x80000047;
	s8 =	sor.u32 s11, s8;
	s10 =	ssub.s32 $0x2, s11  }
0xa: {  	s11 =	sshll.u32 s11, $0xB;
	s9 =	sshll.u32 s8, $0x4;
	s8 =	sshll.u32 s8, $0x8  }
0xb: {  	s12 =	sshrl.u32 s10, $0x1;
	s11 =	sor.u32 s11, s31;
	s9 =	sadd.s32 s9, s7  }
0xc: {  	s7 =	sadd.s32 s7, s8;
	s10 =	ssub.s32 s10, s12;
	s12 =	simm.s32 $0x1  }
0xd: {  	v0 =	vlaneseq.u32;
	s8 =	sadd.s32 $0x2000, s7;
	s9 =	sadd.s32 $0x4C00, s9;
	s10 =	smax.u32 s10, $0x1  }
.LBB2_1:
0xe: {  	[tilespmem:s3], [sflag:$0x1] =	stream.linear.gather [hbm4b:s1+s3], $0x2000, $0x38;
	[tilespmem:$0x9080] =	vst v63  }
0xf: {  	_ =	swait.ge [sflag:s12], $0x2000  }
0x10: {  	[sflag:s12] =	ssyncset.done $0x0  }
0x11: {  	[sflag:s12] =	ssyncadd.s32 $0xFFFFE000  }
0x12: {  	[tilespmem:s13], [sflag:$0x1] =	stream.linear.gather [hbm4b:s4+s3], $0x2000, $0x38;
	[tilespmem:$0x9080] =	vst v63  }
0x13: {  	_ =	swait.ge [sflag:s12], $0x2000  }
0x14: {  	[sflag:s12] =	ssyncset.done $0x0  }
0x15: {  	[sflag:s12] =	ssyncadd.s32 $0xFFFFE000  }
0x16: {  	[tilespmem:s14], [sflag:$0x1] =	stream.linear.gather [hbm4b:s5+s3], $0x2000, $0x38;
	[tilespmem:$0x9080] =	vst v63  }
0x17: {  	_ =	swait.ge [sflag:s12], $0x2000  }
0x18: {  	[sflag:s12] =	ssyncset.done $0x0  }
0x19: {  	[sflag:s12] =	ssyncadd.s32 $0xFFFFE000  }
0x1a: {  	[tilespmem:s15], [sflag:$0x1] =	stream.linear.gather [hbm4b:s6+s3], $0x2000, $0x38;
	[tilespmem:$0x9080] =	vst v63  }
0x1b: {  	_ =	swait.ge [sflag:s12], $0x2000  }
0x1c: {  	[sflag:s12] =	ssyncset.done $0x0  }
0x1d: {  	[sflag:s12] =	ssyncadd.s32 $0xFFFFE000  }
0x1e: {  	[tilespmem:s16], [sflag:$0x1] =	stream.linear.gather [hbm4b:s7+s3], $0x800, $0x38;
	[tilespmem:$0x9080] =	vst v63  }
0x1f: {  	_ =	swait.ge [sflag:s12], $0x800  }
0x20: {  	[sflag:s12] =	ssyncset.done $0x0  }
0x21: {  	[sflag:s12] =	ssyncadd.s32 $0xFFFFF800  }
0x22: {  	[tilespmem:s17], [sflag:$0x1] =	stream.linear.gather [hbm4b:s8+s3], $0x800, $0x38;
	[tilespmem:$0x9080] =	vst v63  }
0x23: {  	v2 =	vor.u32 s11, v0;
	v3 =	vmov s11;
	_ =	swait.ge [sflag:s12], $0x800  }
0x24: {  	v2 =	vshrl.u32 v2, $0x3;
	v3 =	vshrl.u32 v3, $0x3;
	[sflag:s12] =	ssyncset.done $0x0  }
0x25: {  	s20 =	simm.s32 $0x0;
	v2 =	vand.u32 $0x7F, v2;
	v3 =	vand.u32 $0xFFFFF80, v3;
	[sflag:s12] =	ssyncadd.s32 $0xFFFFF800  }
0x26: {  	v3 =	vor.u32 v3, v2;
	v1 =	vld [tilespmem:s20+$0x8000];
	_ =	sdelay $0x2  }
0x27: {  	s31 =	simm.s32 $0x10;
	v7 =	vld [tilespmem:s20+$0x8800]  }
0x28: {  	v2 =	vld [tilespmem:s31+$0x8000]  }
0x29: {  	v11 =	vld.idx.msk [tilespmem:v3+s3+$0x0], $0xffff  }
0x2a: {  	v12 =	vld.idx.msk [tilespmem:v3+s13+$0x0], $0xffff  }
0x2b: {  	s21 =	sadd.s32 $0x10, s11;
	v13 =	vld.idx.msk [tilespmem:v3+s14+$0x0], $0xffff  }
0x2c: {  	v4 =	vor.u32 s21, v0;
	v6 =	vld.idx.msk [tilespmem:v1+s3+$0x0], $0xffff  }
0x2d: {  	v8 =	vshrl.u32 v4, $0x3;
	v4 =	vld [tilespmem:s31+$0x8800]  }
0x2e: {  	v5 =	vmov s21;
	v10 =	vld.idx.msk [tilespmem:v1+s13+$0x0], $0xffff  }
0x2f: {  	v5 =	vshrl.u32 v5, $0x3;
	v9 =	vld.idx.msk [tilespmem:v1+s14+$0x0], $0xffff  }
0x30: {  	v8 =	vand.u32 $0x7F, v8;
	v5 =	vand.u32 $0xFFFFF80, v5;
	v15 =	vld.idx.msk [tilespmem:v3+s15+$0x0], $0xffff  }
0x31: {  	v5 =	vor.u32 v5, v8;
	s20 =	simm.s32 $0x20;
	v14 =	vld.idx.msk [tilespmem:v1+s15+$0x0], $0xffff;
	v1 =	vsub.f32 v11, v6;
	v11 =	vmax.f32 v7, $9.999999960e-13  }
0x32: {  	v3 =	vld [tilespmem:s20+$0x8000];
	(erf) = vrcp.f32 v11  }
0x33: {  	v8 =	vld.idx.msk [tilespmem:v2+s14+$0x0], $0xffff;
	v10 =	vsub.f32 v12, v10  }
0x34: {  	s21 =	sadd.s32 $0x10, s21;
	v6 =	vld.idx.msk [tilespmem:v2+s3+$0x0], $0xffff;
	v11 =	vsub.f32 v13, v9  }
0x35: {  	v7 =	vld.idx.msk [tilespmem:v2+s13+$0x0], $0xffff;
	v13 =	vor.u32 s21, v0;
	v16 =	vmul.f32 v1, v1;
	v17 =	vmul.f32 v10, v10  }
0x36: {  	v9 =	vld.idx.msk [tilespmem:v5+s3+$0x0], $0xffff  }
0x37: {  	v12 =	vsub.f32 v15, v14;
	v10 =	vld.idx.msk [tilespmem:v5+s13+$0x0], $0xffff;
	v15 =	vadd.f32 v17, v16;
	v16 =	vmul.f32 v11, v11  }
0x38: {  	s22 =	simm.s32 $0xC0;
	v18 =	vmov s21;
	v14 =	vmovc v3;
	v1 =	vimm.f32 $0.0e+00;
	v17 =	vshrl.u32 v13, $0x3;
	v11 =	vld.idx.msk [tilespmem:v5+s14+$0x0], $0xffff;
	v13 =	vmovc v3  }
.LBB2_2:
0x39: {  	p0 =	sne.s32 s22, $0x1FC0;
	v18 =	vshrl.u32 v18, $0x3;
	v19 =	vld [tilespmem:s20+$0x8800];
	v21 =	vadd.f32 v16, v15;
	v12 =	vmul.f32 v12, v12;
	v16 =	vmovc v8  }
0x3a: {  	v8 =	vand.u32 $0x7F, v17;
	v17 =	vand.u32 $0xFFFFF80, v18;
	v18 =	vld.idx.msk [tilespmem:v2+s15+$0x0], $0xffff;
	v2 =	vmov v3  }
0x3b: {  	s20 =	sshra.s32 s22, $0x2;
	v4 =	vmax.f32 v4, $9.999999960e-13;
	v20 =	vld.idx.msk [tilespmem:v5+s15+$0x0], $0xffff;
	v5 =	vor.u32 v17, v8;
	v12 =	vadd.f32 v12, v21;
	v15 =	vpop (erf)  }
0x3c: {  	v3 =	vld [tilespmem:s20+$0x8000];
	(erf) = vrcp.f32 v4  }
0x3d: {  	v9 =	vsub.f32 v9, v6;
	v10 =	vsub.f32 v10, v7;
	v8 =	vld.idx.msk [tilespmem:v13+s14+$0x0], $0xffff;
	v12 =	vmul.f32 v15, v12  }
.Ltmp0:
0x3e: {  	v11 =	vsub.f32 v11, v16;
	v6 =	vld.idx.msk [tilespmem:v14+s3+$0x0], $0xffff;
	v4 =	vmov v19;
	(pc) =	sbr.rel @p0 .LBB2_2-.Ltmp0, $4  }
0x3f: {  	s21 =	sadd.s32 $0x10, s21;
	v21 =	vmul.f32 v9, v9;
	v19 =	vmul.f32 v10, v10;
	v7 =	vld.idx.msk [tilespmem:v2+s13+$0x0], $0xffff;
	v1 =	vadd.f32 v12, v1  }
0x40: {  	v17 =	vor.u32 s21, v0;
	v9 =	vld.idx.msk [tilespmem:v5+s3+$0x0], $0xffff  }
0x41: {  	v16 =	vmul.f32 v11, v11;
	v12 =	vsub.f32 v20, v18;
	v15 =	vadd.f32 v19, v21;
	v10 =	vld.idx.msk [tilespmem:v5+s13+$0x0], $0xffff  }
0x42: {  	s22 =	sadd.s32 $0x40, s22;
	v17 =	vshrl.u32 v17, $0x3;
	v18 =	vmov s21;
	v14 =	vmovc v3;
	v13 =	vmov v3;
	v11 =	vld.idx.msk [tilespmem:v5+s14+$0x0], $0xffff  }
0x43: {  	_ = 	snop  }
0x44: {  	v18 =	vshrl.u32 v18, $0x3  }
0x45: {  	v17 =	vand.u32 $0x7F, v17;
	v18 =	vand.u32 $0xFFFFF80, v18  }
0x46: {  	v19 =	vld [tilespmem:s20+$0x8800];
	v17 =	vor.u32 v18, v17  }
0x47: {  	v2 =	vld.idx.msk [tilespmem:v2+s15+$0x0], $0xffff  }
0x48: {  	v5 =	vld.idx.msk [tilespmem:v5+s15+$0x0], $0xffff  }
0x49: {  	v14 =	vld.idx.msk [tilespmem:v14+s3+$0x0], $0xffff  }
0x4a: {  	v48 =	vld.idx.msk [tilespmem:v3+s13+$0x0], $0xffff  }
0x4b: {  	v20 =	vld.idx.msk [tilespmem:v17+s3+$0x0], $0xffff  }
0x4c: {  	v21 =	vld.idx.msk [tilespmem:v17+s13+$0x0], $0xffff  }
0x4d: {  	v15 =	vadd.f32 v16, v15;
	v13 =	vld.idx.msk [tilespmem:v13+s14+$0x0], $0xffff  }
0x4e: {  	v4 =	vmax.f32 v4, $9.999999960e-13;
	v6 =	vsub.f32 v9, v6;
	v7 =	vsub.f32 v10, v7;
	v49 =	vld.idx.msk [tilespmem:v17+s14+$0x0], $0xffff  }
0x4f: {  	v50 =	vmul.f32 v12, v12;
	v3 =	vld.idx.msk [tilespmem:v3+s15+$0x0], $0xffff;
	(erf) = vrcp.f32 v4;
	v51 =	vsub.f32 v11, v8  }
0x50: {  	v6 =	vmul.f32 v6, v6;
	v7 =	vmul.f32 v7, v7;
	v53 =	vmax.f32 v19, $9.999999960e-13;
	v52 =	vld.idx.msk [tilespmem:v17+s15+$0x0], $0xffff  }
0x51: {  	(erf) = vrcp.f32 v53;
	v54 =	vsub.f32 v20, v14;
	v55 =	vsub.f32 v21, v48  }
0x52: {  	v2 =	vsub.f32 v5, v2;
	v4 =	vmul.f32 v51, v51;
	v56 =	vadd.f32 v7, v6  }
0x53: {  	v57 =	vsub.f32 v49, v13;
	v58 =	vmul.f32 v54, v54;
	v59 =	vmul.f32 v55, v55  }
0x54: {  	v10 =	vadd.f32 v50, v15;
	v2 =	vmul.f32 v2, v2;
	v4 =	vadd.f32 v4, v56  }
0x55: {  	v60 =	vpop (erf);
	v3 =	vsub.f32 v52, v3;
	v6 =	vmul.f32 v57, v57;
	v7 =	vadd.f32 v59, v58  }
0x56: {  	v5 =	vmul.f32 v60, v10  }
0x57: {  	v2 =	vadd.f32 v2, v4;
	v3 =	vmul.f32 v3, v3;
	v61 =	vadd.f32 v6, v7  }
0x58: {  	v62 =	vpop (erf)  }
0x59: {  	v1 =	vadd.f32 v5, v1;
	v2 =	vmul.f32 v62, v2;
	v3 =	vadd.f32 v3, v61  }
0x5a: {  	v63 =	vpop (erf)  }
0x5b: {  	v1 =	vadd.f32 v2, v1;
	v2 =	vmul.f32 v63, v3;
	_ =	sdelay $0x1  }
0x5c: {  	s19 =	sadd.s32 $0x1, s19;
	v1 =	vadd.f32 v2, v1  }
0x5d: {  	p0 =	sne.s32 s19, s10  }
.Ltmp1:
0x5e: {  	[tilespmem:$0x9000] =	vst v1;
	(pc) =	sbr.rel @p0 .LBB2_1-.Ltmp1, $4  }
0x5f: {  	[hbm4b:s9+s3] =	stream.linear.scatter [tilespmem:s18], [sflag:$0x1], $0x80, $0x38;
	[tilespmem:$0x9080] =	vst v63  }
0x60: {  	_ =	swait.ge [sflag:s12], $0x80  }
0x61: {  	[sflag:s12] =	ssyncset.done $0x0  }
0x62: {  	[sflag:s12] =	ssyncadd.s32 $0xFFFFFF80  }
0x63: {  	_ =	sfence.sel $0x180000  }
0x64: {  	[bflag:$0x0] =	sbarrier.arrive $0xFFFF  }
0x65: {  	p0 =	sne.s32 s2, $0x0;
	_ =	strace $0x90000047  }
0x66: {  	s0 =	sadd.s32 @!p0 $0x100000, s0;
	[bflag:$0x2] =	sbarrier.arrive $0xFFFF  }
0x67: {  	[sflag:s0] =	ssyncadd.tile.s32 @!p0 $0x1;
	_ =	shalt  }
.Lfunc_end2:
_tile_overlayer_lowered:
.L_overlay_start_2:
0x68: {  	(tag) =	ssettag $0x2  }
0x69: {  	s0 =	rddreg [dreg:$0x0];
	s2 =	stileid.u32  }
0x6a: {  	s1 =	rddreg [dreg:$0x1];
	p0 =	sne.s32 s2, $0x0  }
0x6b: {  	s3 =	rddreg [dreg:$0x2];
	[bflag:$0x3] =	sbarrier.arrive $0xFFFF;
	s2 =	simm.s32 @!p0 $0x1C01  }
0x6c: {  	[timem:s3], [sflag:s2] =	dma.local @!p0 [hbm:s0], s1  }
0x6d: {  	s0 =	simm.s32 @!p0 $0x1  }
0x6e: {  	_ =	swait.ge @!p0 [sflag:s0], s1  }
0x6f: {  	s1 =	ssub.s32 @!p0 $0x0, s1;
	[sflag:s0] =	ssyncset.done @!p0 $0x0  }
0x70: {  	[sflag:s0] =	ssyncadd.s32 @!p0 s1  }
0x71: {  	[bflag:$0x3] =	sbarrier.arrive $0xFFFF  }
0x72: {  	_ =	shalt  }

</sc_bundles>
